<compile_context>
chip_gen: v7x
topology: tpu7x:2x2x1
jax: 0.10.2.dev20260603
libtpu: 0.0.44.dev20260713+nightly
codegen_flags: <defaults>
</compile_context>

<pallas_src>
import functools

import jax
import jax.numpy as jnp
from jax import lax
from jax.experimental import pallas as pl
from jax.experimental.pallas import tpu as pltpu
from jax.experimental.pallas import tpu_sc as plsc

N = 10000
D = 128
NC = 2
NS = 16
L = 16
NW = NC * NS
K = 32
DUMP = N
NACC = 10112
ROWS_PER_SUB = NACC // NS


def _sc_aggregate(x, row, col, n_chunks):
    mesh = plsc.VectorSubcoreMesh(core_axis_name="c", subcore_axis_name="s")

    @functools.partial(
        pl.kernel,
        mesh=mesh,
        compiler_params=pltpu.CompilerParams(needs_layout_passes=False),
        out_type=[
            jax.ShapeDtypeStruct((NC, NACC, D), jnp.float32),
            jax.ShapeDtypeStruct((NW, NACC), jnp.float32),
        ],
        scratch_types=[
            [pltpu.VMEM((K,), jnp.int32)] * 4,
            [pltpu.VMEM((K,), jnp.int32)] * 4,
            [pltpu.VMEM((K, D), jnp.float32)] * 2,
            pltpu.VMEM((NACC,), jnp.float32),
            pltpu.VMEM_SHARED((NACC, D), jnp.float32),
            [pltpu.SemaphoreType.DMA] * 2,
            [pltpu.SemaphoreType.DMA] * 4,
        ],
    )
    def sc_kernel(x_hbm, row_hbm, col_hbm, acc_out, cnt_out,
                  row_vs, col_vs, rows_vs, cnt_v, acc_sh, gsem, isem):
        cid = lax.axis_index("c")
        sid = lax.axis_index("s")
        wid = sid * NC + cid
        base_e = wid * (n_chunks * K)
        lane = lax.iota(jnp.int32, L)

        def idx_load(t, c):
            off = base_e + c * K
            pltpu.async_copy(row_hbm.at[pl.ds(off, K)], row_vs[t], isem[t])
            pltpu.async_copy(col_hbm.at[pl.ds(off, K)], col_vs[t], isem[t])

        def idx_wait(t):
            pltpu.make_async_copy(
                row_hbm.at[pl.ds(0, K)], row_vs[t], isem[t]).wait()
            pltpu.make_async_copy(
                col_hbm.at[pl.ds(0, K)], col_vs[t], isem[t]).wait()

        def prep(t):
            for j in range(K // L):
                sl = pl.ds(j * L, L)
                rv = row_vs[t][sl]
                cv = col_vs[t][sl]
                valid = rv != cv
                counts, last = plsc.scan_count(cv, mask=valid)
                plsc.addupdate_scatter(
                    cnt_v, [cv], counts.astype(jnp.float32), mask=last)
                col_vs[t][sl] = jnp.where(valid, cv, DUMP + lane)

        def gather_issue(t, p):
            pltpu.async_copy(x_hbm.at[row_vs[t]], rows_vs[p], gsem[p])

        def gather_wait(t, p):
            pltpu.make_async_copy(
                x_hbm.at[row_vs[t]], rows_vs[p], gsem[p]).wait()

        for t in range(4):
            idx_load(t, t)

        @pl.loop(0, K)
        def _(r):
            for j in range(D // L):
                rows_vs[0][r, pl.ds(j * L, L)] = jnp.zeros((L,), jnp.float32)

        @pl.loop(0, NACC // L)
        def _(i):
            cnt_v[pl.ds(i * L, L)] = jnp.zeros((L,), jnp.float32)

        base_r = sid * ROWS_PER_SUB
        for b in range(ROWS_PER_SUB // K):
            pltpu.sync_copy(rows_vs[0], acc_sh.at[pl.ds(base_r + b * K, K)])
        rem = ROWS_PER_SUB % K
        if rem:
            pltpu.sync_copy(
                rows_vs[0].at[pl.ds(0, rem)],
                acc_sh.at[pl.ds(base_r + ROWS_PER_SUB - rem, rem)])
        plsc.subcore_barrier()

        for t in range(2):
            idx_wait(t)
            prep(t)
            gather_issue(t, t)

        @pl.loop(0, n_chunks // 4)
        def _(i):
            for u in range(4):
                p = u % 2
                q = (u + 2) % 4
                c = i * 4 + u
                gather_wait(u, p)
                pltpu.sync_copy(rows_vs[p], acc_sh.at[col_vs[u]], add=True)

                @pl.when(c + 2 < n_chunks)
                def _():
                    idx_wait(q)
                    prep(q)
                    gather_issue(q, p)

                @pl.when(c + 4 < n_chunks)
                def _():
                    idx_load(u, c + 4)

        plsc.subcore_barrier()
        pltpu.sync_copy(acc_sh.at[pl.ds(base_r, ROWS_PER_SUB)],
                        acc_out.at[cid, pl.ds(base_r, ROWS_PER_SUB)])
        pltpu.sync_copy(cnt_v, cnt_out.at[wid])

    return sc_kernel(x, row, col)


def _tc_finish(x, acc, cnt, ones_w, w1t, w2t, b, g, be):
    def body(x_ref, acc_ref, cnt_ref, ones_ref, w1_ref, w2_ref,
             b_ref, g_ref, be_ref, o_ref):
        xv = x_ref[...]
        a = acc_ref[0, :N] + acc_ref[1, :N]
        agg = a + xv
        call = lax.dot_general(
            cnt_ref[...], ones_ref[...],
            dimension_numbers=(((0,), (0,)), ((), ())),
            preferred_element_type=jnp.float32)
        cnt = call[:N] + 1.0
        aggr = agg / jnp.maximum(cnt, 1.0)
        h = (jnp.dot(xv, w1_ref[...], preferred_element_type=jnp.float32)
             + jnp.dot(aggr, w2_ref[...], preferred_element_type=jnp.float32)
             + b_ref[...])
        nrm = jnp.sqrt(jnp.sum(h * h, axis=1, keepdims=True))
        h = h / jnp.maximum(nrm, 1e-12)
        mu = jnp.mean(h, axis=0, keepdims=True)
        var = jnp.mean((h - mu) ** 2, axis=0, keepdims=True)
        h = (h - mu) * lax.rsqrt(var + 1e-5) * g_ref[...] + be_ref[...]
        o_ref[...] = jnp.maximum(h, 0.0) + xv

    return pl.pallas_call(
        body,
        out_shape=jax.ShapeDtypeStruct((N, D), jnp.float32),
    )(x, acc, cnt, ones_w, w1t, w2t, b, g, be)


def kernel(x, edge_index, edge_w, pos_w1, pos_w2, lin_w, lin_b,
           bn_gamma, bn_beta):
    row = edge_index[0]
    col = edge_index[1]
    e = row.shape[0]
    per_w = 4 * K * (-(-e // (NW * 4 * K)))
    n_chunks = per_w // K
    pad = n_chunks * NW * K - e
    if pad:
        pad_idx = jnp.arange(pad, dtype=row.dtype) % N
        row = jnp.concatenate([row, pad_idx])
        col = jnp.concatenate([col, pad_idx])
    acc, cnt = _sc_aggregate(x, row, col, n_chunks)
    ones_w = jnp.ones((NW, 1), jnp.float32)
    w1t = lin_w[:, :D].T
    w2t = lin_w[:, D:].T
    return _tc_finish(x, acc, cnt, ones_w, w1t, w2t,
                      lin_b[None], bn_gamma[None], bn_beta[None])

# --- scband reference (transcript-rebuilt; emitter-appended) ---
"""Pipeline reference for scband-my-sageconv-block-8641474200459 (READ-ONLY COPY).

The authoritative reference and input builder live on the scoring server;
editing this copy changes nothing except your own understanding.
"""

import jax, jax.numpy as jnp
import numpy as np

N = 10000
E = 320000
D = 128


def setup_inputs(seed: int = 0) -> dict:
    key = jax.random.key(seed)
    ks = jax.random.split(key, 8)
    x = jax.random.normal(ks[0], (N, D), dtype=jnp.float32)
    edge_index = jax.random.randint(ks[1], (2, E), 0, N, dtype=jnp.int32)
    edge_w = jax.random.normal(ks[2], (E, 2), dtype=jnp.float32)
    # PositionEmbedding params (Linear(2, D, bias=False), Linear(D, D, bias=False))
    pos_w1 = jax.random.normal(ks[3], (D, 2), dtype=jnp.float32) * (1.0 / np.sqrt(2.0))
    pos_w2 = jax.random.normal(ks[4], (D, D), dtype=jnp.float32) * (1.0 / np.sqrt(D))
    # MySAGEConv linear: concat=True -> Linear(2*D, D)
    lin_w = jax.random.normal(ks[5], (D, 2 * D), dtype=jnp.float32) * (1.0 / np.sqrt(2.0 * D))
    lin_b = jnp.zeros((D,), dtype=jnp.float32)
    # BatchNorm1d affine params (training-mode batch stats used in forward)
    bn_gamma = jnp.ones((D,), dtype=jnp.float32)
    bn_beta = jnp.zeros((D,), dtype=jnp.float32)
    return {"x": x, "edge_index": edge_index, "edge_w": edge_w,
            "pos_w1": pos_w1, "pos_w2": pos_w2, "lin_w": lin_w, "lin_b": lin_b,
            "bn_gamma": bn_gamma, "bn_beta": bn_beta}


def reference(x, edge_index, edge_w, pos_w1, pos_w2, lin_w, lin_b, bn_gamma, bn_beta):
    n = x.shape[0]
    # PositionEmbedding is computed in the torch forward, but MySAGEConv.forward
    # overwrites edge_weight with None via add_remaining_self_loops(edge_index, None, ...),
    # so the embedding never reaches message(). We compute it for faithfulness.
    pe = jnp.maximum(edge_w @ pos_w1.T, 0.0) @ pos_w2.T
    del pe  # discarded, exactly as in the torch module
    # add_remaining_self_loops: drop existing self loops, append one loop per node
    row_e, col_e = edge_index[0], edge_index[1]
    loop = jnp.arange(n, dtype=edge_index.dtype)
    # existing self-loop edges are excluded by redirecting their destination to
    # the out-of-range segment n, which segment_sum drops
    col_e_masked = jnp.where(row_e != col_e, col_e, jnp.asarray(n, dtype=edge_index.dtype))
    row = jnp.concatenate([row_e, loop])
    col = jnp.concatenate([col_e_masked, loop])
    # message: edge_weight is None -> x_j ; aggr='mean' over destination nodes
    msg = jnp.take(x, row, axis=0)
    agg = jax.ops.segment_sum(msg, col, num_segments=n)
    cnt = jax.ops.segment_sum(jnp.ones(row.shape[0], dtype=x.dtype), col, num_segments=n)
    aggr = agg / jnp.clip(cnt, 1.0, None)[:, None]
    # update: concat -> linear -> L2 normalize
    cat = jnp.concatenate([x, aggr], axis=-1)
    out = cat @ lin_w.T + lin_b
    norm = jnp.sqrt(jnp.sum(out * out, axis=-1, keepdims=True))
    out = out / jnp.clip(norm, 1e-12, None)
    # BatchNorm1d (training mode: batch statistics, biased variance) + ReLU
    mu = jnp.mean(out, axis=0)
    var = jnp.var(out, axis=0)
    out = (out - mu) / jnp.sqrt(var + 1e-5) * bn_gamma + bn_beta
    out = jnp.maximum(out, 0.0)
    # residual: in_dim == out_dim -> add identity
    out = out + x
    return out

if __name__ == "__main__":
    import jax
    _d = setup_inputs()
    print(jax.jit(kernel)(*tuple(_d.values())))

</pallas_src>

<mosaic_0001>
#map = affine_map<(d0, d1) -> (0, 0)>
#map1 = affine_map<(d0, d1) -> (0)>
#map2 = affine_map<(d0, d1) -> (0, 0, 0)>
module attributes {stable_mosaic.version = 14 : i64} {
  func.func @sc_kernel(%arg0: i32, %arg1: i32, %arg2: memref<10000x128xf32, #tpu.memory_space<hbm>>, %arg3: memref<323584xi32, #tpu.memory_space<hbm>>, %arg4: memref<323584xi32, #tpu.memory_space<hbm>>, %arg5: memref<2x10112x128xf32, #tpu.memory_space<hbm>>, %arg6: memref<32x10112xf32, #tpu.memory_space<hbm>>, %arg7: memref<32xi32, #tpu.memory_space<vmem>>, %arg8: memref<32xi32, #tpu.memory_space<vmem>>, %arg9: memref<32xi32, #tpu.memory_space<vmem>>, %arg10: memref<32xi32, #tpu.memory_space<vmem>>, %arg11: memref<32xi32, #tpu.memory_space<vmem>>, %arg12: memref<32xi32, #tpu.memory_space<vmem>>, %arg13: memref<32xi32, #tpu.memory_space<vmem>>, %arg14: memref<32xi32, #tpu.memory_space<vmem>>, %arg15: memref<32x128xf32, #tpu.memory_space<vmem>>, %arg16: memref<32x128xf32, #tpu.memory_space<vmem>>, %arg17: memref<10112xf32, #tpu.memory_space<vmem>>, %arg18: memref<10112x128xf32, #tpu.memory_space<vmem_shared>>, %arg19: memref<!tpu.dma_semaphore, #tpu.memory_space<semaphore_mem>>, %arg20: memref<!tpu.dma_semaphore, #tpu.memory_space<semaphore_mem>>, %arg21: memref<!tpu.dma_semaphore, #tpu.memory_space<semaphore_mem>>, %arg22: memref<!tpu.dma_semaphore, #tpu.memory_space<semaphore_mem>>, %arg23: memref<!tpu.dma_semaphore, #tpu.memory_space<semaphore_mem>>, %arg24: memref<!tpu.dma_semaphore, #tpu.memory_space<semaphore_mem>>) attributes {dimension_semantics = [#tpu.dimension_semantics<core_parallel>, #tpu.dimension_semantics<subcore_parallel>], iteration_bounds = array<i64: 2, 16>, scalar_prefetch = 0 : i64, scratch_operands = 18 : i64, tpu.core_type = #tpu.core_type<sc_vector_subcore>, window_params = [{transform_indices = #map}, {transform_indices = #map1}, {transform_indices = #map1}, {transform_indices = #map2}, {transform_indices = #map}]} {
    %mul3A = arith.constant 2 : i32
    %mul3A_0 = arith.muli %arg1, %mul3A : i32
    %add3A = arith.addi %mul3A_0, %arg0 : i32
    %mul3A_1 = arith.constant 10112 : i32
    %mul3A_2 = arith.muli %add3A, %mul3A_1 : i32
    %iota3A = tpu.iota {dimensions = array<i32: 0>} : vector<16xi32>
    %add3A_3 = arith.constant 0 : i32
    %add3A_4 = arith.addi %mul3A_2, %add3A_3 : i32
    %dma_start3A = tpu.memref_slice %arg3[%add3A_4] : memref<323584xi32, #tpu.memory_space<hbm>> -> memref<32xi32, #tpu.memory_space<hbm>>
    %dma_start3A_5 = tpu.memref_slice %arg3[%add3A_4] : memref<323584xi32, #tpu.memory_space<hbm>> -> memref<32xi32, #tpu.memory_space<hbm>>
    tpu.enqueue_dma source(%dma_start3A_5 : memref<32xi32, #tpu.memory_space<hbm>>) target(%arg7 : memref<32xi32, #tpu.memory_space<vmem>>) target_semaphore(%arg21 : memref<!tpu.dma_semaphore, #tpu.memory_space<semaphore_mem>>)
    %dma_start3A_6 = tpu.memref_slice %arg4[%add3A_4] : memref<323584xi32, #tpu.memory_space<hbm>> -> memref<32xi32, #tpu.memory_space<hbm>>
    %dma_start3A_7 = tpu.memref_slice %arg4[%add3A_4] : memref<323584xi32, #tpu.memory_space<hbm>> -> memref<32xi32, #tpu.memory_space<hbm>>
    tpu.enqueue_dma source(%dma_start3A_7 : memref<32xi32, #tpu.memory_space<hbm>>) target(%arg11 : memref<32xi32, #tpu.memory_space<vmem>>) target_semaphore(%arg21 : memref<!tpu.dma_semaphore, #tpu.memory_space<semaphore_mem>>)
    %add3A_8 = arith.constant 32 : i32
    %add3A_9 = arith.addi %mul3A_2, %add3A_8 : i32
    %dma_start3A_10 = tpu.memref_slice %arg3[%add3A_9] : memref<323584xi32, #tpu.memory_space<hbm>> -> memref<32xi32, #tpu.memory_space<hbm>>
    %dma_start3A_11 = tpu.memref_slice %arg3[%add3A_9] : memref<323584xi32, #tpu.memory_space<hbm>> -> memref<32xi32, #tpu.memory_space<hbm>>
    tpu.enqueue_dma source(%dma_start3A_11 : memref<32xi32, #tpu.memory_space<hbm>>) target(%arg8 : memref<32xi32, #tpu.memory_space<vmem>>) target_semaphore(%arg22 : memref<!tpu.dma_semaphore, #tpu.memory_space<semaphore_mem>>)
    %dma_start3A_12 = tpu.memref_slice %arg4[%add3A_9] : memref<323584xi32, #tpu.memory_space<hbm>> -> memref<32xi32, #tpu.memory_space<hbm>>
    %dma_start3A_13 = tpu.memref_slice %arg4[%add3A_9] : memref<323584xi32, #tpu.memory_space<hbm>> -> memref<32xi32, #tpu.memory_space<hbm>>
    tpu.enqueue_dma source(%dma_start3A_13 : memref<32xi32, #tpu.memory_space<hbm>>) target(%arg12 : memref<32xi32, #tpu.memory_space<vmem>>) target_semaphore(%arg22 : memref<!tpu.dma_semaphore, #tpu.memory_space<semaphore_mem>>)
    %add3A_14 = arith.constant 64 : i32
    %add3A_15 = arith.addi %mul3A_2, %add3A_14 : i32
    %dma_start3A_16 = tpu.memref_slice %arg3[%add3A_15] : memref<323584xi32, #tpu.memory_space<hbm>> -> memref<32xi32, #tpu.memory_space<hbm>>
    %dma_start3A_17 = tpu.memref_slice %arg3[%add3A_15] : memref<323584xi32, #tpu.memory_space<hbm>> -> memref<32xi32, #tpu.memory_space<hbm>>
    tpu.enqueue_dma source(%dma_start3A_17 : memref<32xi32, #tpu.memory_space<hbm>>) target(%arg9 : memref<32xi32, #tpu.memory_space<vmem>>) target_semaphore(%arg23 : memref<!tpu.dma_semaphore, #tpu.memory_space<semaphore_mem>>)
    %dma_start3A_18 = tpu.memref_slice %arg4[%add3A_15] : memref<323584xi32, #tpu.memory_space<hbm>> -> memref<32xi32, #tpu.memory_space<hbm>>
    %dma_start3A_19 = tpu.memref_slice %arg4[%add3A_15] : memref<323584xi32, #tpu.memory_space<hbm>> -> memref<32xi32, #tpu.memory_space<hbm>>
    tpu.enqueue_dma source(%dma_start3A_19 : memref<32xi32, #tpu.memory_space<hbm>>) target(%arg13 : memref<32xi32, #tpu.memory_space<vmem>>) target_semaphore(%arg23 : memref<!tpu.dma_semaphore, #tpu.memory_space<semaphore_mem>>)
    %add3A_20 = arith.constant 96 : i32
    %add3A_21 = arith.addi %mul3A_2, %add3A_20 : i32
    %dma_start3A_22 = tpu.memref_slice %arg3[%add3A_21] : memref<323584xi32, #tpu.memory_space<hbm>> -> memref<32xi32, #tpu.memory_space<hbm>>
    %dma_start3A_23 = tpu.memref_slice %arg3[%add3A_21] : memref<323584xi32, #tpu.memory_space<hbm>> -> memref<32xi32, #tpu.memory_space<hbm>>
    tpu.enqueue_dma source(%dma_start3A_23 : memref<32xi32, #tpu.memory_space<hbm>>) target(%arg10 : memref<32xi32, #tpu.memory_space<vmem>>) target_semaphore(%arg24 : memref<!tpu.dma_semaphore, #tpu.memory_space<semaphore_mem>>)
    %dma_start3A_24 = tpu.memref_slice %arg4[%add3A_21] : memref<323584xi32, #tpu.memory_space<hbm>> -> memref<32xi32, #tpu.memory_space<hbm>>
    %dma_start3A_25 = tpu.memref_slice %arg4[%add3A_21] : memref<323584xi32, #tpu.memory_space<hbm>> -> memref<32xi32, #tpu.memory_space<hbm>>
    tpu.enqueue_dma source(%dma_start3A_25 : memref<32xi32, #tpu.memory_space<hbm>>) target(%arg14 : memref<32xi32, #tpu.memory_space<vmem>>) target_semaphore(%arg24 : memref<!tpu.dma_semaphore, #tpu.memory_space<semaphore_mem>>)
    %scan3A = arith.constant 0 : i32
    %scan3A_26 = arith.constant 32 : i32
    %scan3A_27 = arith.addi %scan3A, %scan3A_26 : i32
    %scan3A_28 = arith.constant 1 : i32
    scf.for %scan3A_155 = %scan3A to %scan3A_27 step %scan3A_28  : i32 {
      %mul3A_156 = arith.constant 1 : i32
      %mul3A_157 = arith.muli %scan3A_155, %mul3A_156 : i32
      %add3A_158 = arith.constant 0 : i32
      %add3A_159 = arith.addi %add3A_158, %mul3A_157 : i32
      %broadcast_in_dim3A = arith.constant 0.000000e+00 : f32
      %broadcast_in_dim3A_160 = vector.broadcast %broadcast_in_dim3A : f32 to vector<16xf32>
      %swap3A_161 = arith.index_cast %add3A_159 : i32 to index
      %swap3A_162 = arith.constant 0 : index
      %swap3A_163 = tpu.vector_load %arg15[%swap3A_161, %swap3A_162] {strides = array<i32>} : memref<32x128xf32, #tpu.memory_space<vmem>>, vector<16xf32>,
      tpu.vector_store %arg15[%swap3A_161, %swap3A_162], %broadcast_in_dim3A_160 {strides = array<i32>} : memref<32x128xf32, #tpu.memory_space<vmem>>, vector<16xf32>,
      %broadcast_in_dim3A_164 = arith.constant 0.000000e+00 : f32
      %broadcast_in_dim3A_165 = vector.broadcast %broadcast_in_dim3A_164 : f32 to vector<16xf32>
      %swap3A_166 = arith.index_cast %add3A_159 : i32 to index
      %swap3A_167 = arith.constant 16 : index
      %swap3A_168 = tpu.vector_load %arg15[%swap3A_166, %swap3A_167] {strides = array<i32>} : memref<32x128xf32, #tpu.memory_space<vmem>>, vector<16xf32>,
      tpu.vector_store %arg15[%swap3A_166, %swap3A_167], %broadcast_in_dim3A_165 {strides = array<i32>} : memref<32x128xf32, #tpu.memory_space<vmem>>, vector<16xf32>,
      %broadcast_in_dim3A_169 = arith.constant 0.000000e+00 : f32
      %broadcast_in_dim3A_170 = vector.broadcast %broadcast_in_dim3A_169 : f32 to vector<16xf32>
      %swap3A_171 = arith.index_cast %add3A_159 : i32 to index
      %swap3A_172 = arith.constant 32 : index
      %swap3A_173 = tpu.vector_load %arg15[%swap3A_171, %swap3A_172] {strides = array<i32>} : memref<32x128xf32, #tpu.memory_space<vmem>>, vector<16xf32>,
      tpu.vector_store %arg15[%swap3A_171, %swap3A_172], %broadcast_in_dim3A_170 {strides = array<i32>} : memref<32x128xf32, #tpu.memory_space<vmem>>, vector<16xf32>,
      %broadcast_in_dim3A_174 = arith.constant 0.000000e+00 : f32
      %broadcast_in_dim3A_175 = vector.broadcast %broadcast_in_dim3A_174 : f32 to vector<16xf32>
      %swap3A_176 = arith.index_cast %add3A_159 : i32 to index
      %swap3A_177 = arith.constant 48 : index
      %swap3A_178 = tpu.vector_load %arg15[%swap3A_176, %swap3A_177] {strides = array<i32>} : memref<32x128xf32, #tpu.memory_space<vmem>>, vector<16xf32>,
      tpu.vector_store %arg15[%swap3A_176, %swap3A_177], %broadcast_in_dim3A_175 {strides = array<i32>} : memref<32x128xf32, #tpu.memory_space<vmem>>, vector<16xf32>,
      %broadcast_in_dim3A_179 = arith.constant 0.000000e+00 : f32
      %broadcast_in_dim3A_180 = vector.broadcast %broadcast_in_dim3A_179 : f32 to vector<16xf32>
      %swap3A_181 = arith.index_cast %add3A_159 : i32 to index
      %swap3A_182 = arith.constant 64 : index
      %swap3A_183 = tpu.vector_load %arg15[%swap3A_181, %swap3A_182] {strides = array<i32>} : memref<32x128xf32, #tpu.memory_space<vmem>>, vector<16xf32>,
      tpu.vector_store %arg15[%swap3A_181, %swap3A_182], %broadcast_in_dim3A_180 {strides = array<i32>} : memref<32x128xf32, #tpu.memory_space<vmem>>, vector<16xf32>,
      %broadcast_in_dim3A_184 = arith.constant 0.000000e+00 : f32
      %broadcast_in_dim3A_185 = vector.broadcast %broadcast_in_dim3A_184 : f32 to vector<16xf32>
      %swap3A_186 = arith.index_cast %add3A_159 : i32 to index
      %swap3A_187 = arith.constant 80 : index
      %swap3A_188 = tpu.vector_load %arg15[%swap3A_186, %swap3A_187] {strides = array<i32>} : memref<32x128xf32, #tpu.memory_space<vmem>>, vector<16xf32>,
      tpu.vector_store %arg15[%swap3A_186, %swap3A_187], %broadcast_in_dim3A_185 {strides = array<i32>} : memref<32x128xf32, #tpu.memory_space<vmem>>, vector<16xf32>,
      %broadcast_in_dim3A_189 = arith.constant 0.000000e+00 : f32
      %broadcast_in_dim3A_190 = vector.broadcast %broadcast_in_dim3A_189 : f32 to vector<16xf32>
      %swap3A_191 = arith.index_cast %add3A_159 : i32 to index
      %swap3A_192 = arith.constant 96 : index
      %swap3A_193 = tpu.vector_load %arg15[%swap3A_191, %swap3A_192] {strides = array<i32>} : memref<32x128xf32, #tpu.memory_space<vmem>>, vector<16xf32>,
      tpu.vector_store %arg15[%swap3A_191, %swap3A_192], %broadcast_in_dim3A_190 {strides = array<i32>} : memref<32x128xf32, #tpu.memory_space<vmem>>, vector<16xf32>,
      %broadcast_in_dim3A_194 = arith.constant 0.000000e+00 : f32
      %broadcast_in_dim3A_195 = vector.broadcast %broadcast_in_dim3A_194 : f32 to vector<16xf32>
      %swap3A_196 = arith.index_cast %add3A_159 : i32 to index
      %swap3A_197 = arith.constant 112 : index
      %swap3A_198 = tpu.vector_load %arg15[%swap3A_196, %swap3A_197] {strides = array<i32>} : memref<32x128xf32, #tpu.memory_space<vmem>>, vector<16xf32>,
      tpu.vector_store %arg15[%swap3A_196, %swap3A_197], %broadcast_in_dim3A_195 {strides = array<i32>} : memref<32x128xf32, #tpu.memory_space<vmem>>, vector<16xf32>,
    }
    %scan3A_29 = arith.constant 32 : i32
    %scan3A_30 = arith.constant 0 : i32
    %scan3A_31 = arith.constant 632 : i32
    %scan3A_32 = arith.addi %scan3A_30, %scan3A_31 : i32
    %scan3A_33 = arith.constant 1 : i32
    scf.for %scan3A_155 = %scan3A_30 to %scan3A_32 step %scan3A_33  : i32 {
      %mul3A_156 = arith.constant 1 : i32
      %mul3A_157 = arith.muli %scan3A_155, %mul3A_156 : i32
      %add3A_158 = arith.constant 0 : i32
      %add3A_159 = arith.addi %add3A_158, %mul3A_157 : i32
      %broadcast_in_dim3A = arith.constant 0.000000e+00 : f32
      %broadcast_in_dim3A_160 = vector.broadcast %broadcast_in_dim3A : f32 to vector<16xf32>
      %mul3A_161 = arith.constant 16 : i32
      %mul3A_162 = arith.muli %add3A_159, %mul3A_161 : i32
      %swap3A_163 = arith.index_cast %mul3A_162 : i32 to index
      %swap3A_164 = tpu.vector_load %arg17[%swap3A_163] {strides = array<i32>} : memref<10112xf32, #tpu.memory_space<vmem>>, vector<16xf32>,
      tpu.vector_store %arg17[%swap3A_163], %broadcast_in_dim3A_160 {strides = array<i32>} : memref<10112xf32, #tpu.memory_space<vmem>>, vector<16xf32>,
    }
    %scan3A_34 = arith.constant 632 : i32
    %mul3A_35 = arith.constant 632 : i32
    %mul3A_36 = arith.muli %arg1, %mul3A_35 : i32
    %add3A_37 = arith.constant 0 : i32
    %add3A_38 = arith.addi %mul3A_36, %add3A_37 : i32
    "tpu.region"() ({
      %run_scoped3A = tpu.sem_alloc : memref<!tpu.dma_semaphore, #tpu.memory_space<semaphore_mem>>
      %dma_start3A_155 = arith.constant 0 : i32
      %dma_start3A_156 = tpu.memref_slice %arg18[%add3A_38, %dma_start3A_155] : memref<10112x128xf32, #tpu.memory_space<vmem_shared>> -> memref<32x128xf32, #tpu.memory_space<vmem_shared>>
      %dma_start3A_157 = arith.constant 0 : i32
      %dma_start3A_158 = tpu.memref_slice %arg18[%add3A_38, %dma_start3A_157] : memref<10112x128xf32, #tpu.memory_space<vmem_shared>> -> memref<32x128xf32, #tpu.memory_space<vmem_shared>>
      tpu.enqueue_dma source(%arg15 : memref<32x128xf32, #tpu.memory_space<vmem>>) target(%dma_start3A_158 : memref<32x128xf32, #tpu.memory_space<vmem_shared>>) target_semaphore(%run_scoped3A : memref<!tpu.dma_semaphore, #tpu.memory_space<semaphore_mem>>)
      %dma_wait3A_159 = arith.constant 0 : i32
      %dma_wait3A_160 = tpu.memref_slice %arg18[%add3A_38, %dma_wait3A_159] : memref<10112x128xf32, #tpu.memory_space<vmem_shared>> -> memref<32x128xf32, #tpu.memory_space<vmem_shared>>
      %dma_wait3A_161 = arith.constant 0 : i32
      %dma_wait3A_162 = tpu.memref_slice %arg18[%add3A_38, %dma_wait3A_161] : memref<10112x128xf32, #tpu.memory_space<vmem_shared>> -> memref<32x128xf32, #tpu.memory_space<vmem_shared>>
      tpu.wait_dma2 semaphore(%run_scoped3A : memref<!tpu.dma_semaphore, #tpu.memory_space<semaphore_mem>>) src(%arg15 : memref<32x128xf32, #tpu.memory_space<vmem>>) dst(%dma_wait3A_162 : memref<32x128xf32, #tpu.memory_space<vmem_shared>>)
      tpu.yield
    }) : () -> ()
    %add3A_39 = arith.constant 32 : i32
    %add3A_40 = arith.addi %mul3A_36, %add3A_39 : i32
    "tpu.region"() ({
      %run_scoped3A = tpu.sem_alloc : memref<!tpu.dma_semaphore, #tpu.memory_space<semaphore_mem>>
      %dma_start3A_155 = arith.constant 0 : i32
      %dma_start3A_156 = tpu.memref_slice %arg18[%add3A_40, %dma_start3A_155] : memref<10112x128xf32, #tpu.memory_space<vmem_shared>> -> memref<32x128xf32, #tpu.memory_space<vmem_shared>>
      %dma_start3A_157 = arith.constant 0 : i32
      %dma_start3A_158 = tpu.memref_slice %arg18[%add3A_40, %dma_start3A_157] : memref<10112x128xf32, #tpu.memory_space<vmem_shared>> -> memref<32x128xf32, #tpu.memory_space<vmem_shared>>
      tpu.enqueue_dma source(%arg15 : memref<32x128xf32, #tpu.memory_space<vmem>>) target(%dma_start3A_158 : memref<32x128xf32, #tpu.memory_space<vmem_shared>>) target_semaphore(%run_scoped3A : memref<!tpu.dma_semaphore, #tpu.memory_space<semaphore_mem>>)
      %dma_wait3A_159 = arith.constant 0 : i32
      %dma_wait3A_160 = tpu.memref_slice %arg18[%add3A_40, %dma_wait3A_159] : memref<10112x128xf32, #tpu.memory_space<vmem_shared>> -> memref<32x128xf32, #tpu.memory_space<vmem_shared>>
      %dma_wait3A_161 = arith.constant 0 : i32
      %dma_wait3A_162 = tpu.memref_slice %arg18[%add3A_40, %dma_wait3A_161] : memref<10112x128xf32, #tpu.memory_space<vmem_shared>> -> memref<32x128xf32, #tpu.memory_space<vmem_shared>>
      tpu.wait_dma2 semaphore(%run_scoped3A : memref<!tpu.dma_semaphore, #tpu.memory_space<semaphore_mem>>) src(%arg15 : memref<32x128xf32, #tpu.memory_space<vmem>>) dst(%dma_wait3A_162 : memref<32x128xf32, #tpu.memory_space<vmem_shared>>)
      tpu.yield
    }) : () -> ()
    %add3A_41 = arith.constant 64 : i32
    %add3A_42 = arith.addi %mul3A_36, %add3A_41 : i32
    "tpu.region"() ({
      %run_scoped3A = tpu.sem_alloc : memref<!tpu.dma_semaphore, #tpu.memory_space<semaphore_mem>>
      %dma_start3A_155 = arith.constant 0 : i32
      %dma_start3A_156 = tpu.memref_slice %arg18[%add3A_42, %dma_start3A_155] : memref<10112x128xf32, #tpu.memory_space<vmem_shared>> -> memref<32x128xf32, #tpu.memory_space<vmem_shared>>
      %dma_start3A_157 = arith.constant 0 : i32
      %dma_start3A_158 = tpu.memref_slice %arg18[%add3A_42, %dma_start3A_157] : memref<10112x128xf32, #tpu.memory_space<vmem_shared>> -> memref<32x128xf32, #tpu.memory_space<vmem_shared>>
      tpu.enqueue_dma source(%arg15 : memref<32x128xf32, #tpu.memory_space<vmem>>) target(%dma_start3A_158 : memref<32x128xf32, #tpu.memory_space<vmem_shared>>) target_semaphore(%run_scoped3A : memref<!tpu.dma_semaphore, #tpu.memory_space<semaphore_mem>>)
      %dma_wait3A_159 = arith.constant 0 : i32
      %dma_wait3A_160 = tpu.memref_slice %arg18[%add3A_42, %dma_wait3A_159] : memref<10112x128xf32, #tpu.memory_space<vmem_shared>> -> memref<32x128xf32, #tpu.memory_space<vmem_shared>>
      %dma_wait3A_161 = arith.constant 0 : i32
      %dma_wait3A_162 = tpu.memref_slice %arg18[%add3A_42, %dma_wait3A_161] : memref<10112x128xf32, #tpu.memory_space<vmem_shared>> -> memref<32x128xf32, #tpu.memory_space<vmem_shared>>
      tpu.wait_dma2 semaphore(%run_scoped3A : memref<!tpu.dma_semaphore, #tpu.memory_space<semaphore_mem>>) src(%arg15 : memref<32x128xf32, #tpu.memory_space<vmem>>) dst(%dma_wait3A_162 : memref<32x128xf32, #tpu.memory_space<vmem_shared>>)
      tpu.yield
    }) : () -> ()
    %add3A_43 = arith.constant 96 : i32
    %add3A_44 = arith.addi %mul3A_36, %add3A_43 : i32
    "tpu.region"() ({
      %run_scoped3A = tpu.sem_alloc : memref<!tpu.dma_semaphore, #tpu.memory_space<semaphore_mem>>
      %dma_start3A_155 = arith.constant 0 : i32
      %dma_start3A_156 = tpu.memref_slice %arg18[%add3A_44, %dma_start3A_155] : memref<10112x128xf32, #tpu.memory_space<vmem_shared>> -> memref<32x128xf32, #tpu.memory_space<vmem_shared>>
      %dma_start3A_157 = arith.constant 0 : i32
      %dma_start3A_158 = tpu.memref_slice %arg18[%add3A_44, %dma_start3A_157] : memref<10112x128xf32, #tpu.memory_space<vmem_shared>> -> memref<32x128xf32, #tpu.memory_space<vmem_shared>>
      tpu.enqueue_dma source(%arg15 : memref<32x128xf32, #tpu.memory_space<vmem>>) target(%dma_start3A_158 : memref<32x128xf32, #tpu.memory_space<vmem_shared>>) target_semaphore(%run_scoped3A : memref<!tpu.dma_semaphore, #tpu.memory_space<semaphore_mem>>)
      %dma_wait3A_159 = arith.constant 0 : i32
      %dma_wait3A_160 = tpu.memref_slice %arg18[%add3A_44, %dma_wait3A_159] : memref<10112x128xf32, #tpu.memory_space<vmem_shared>> -> memref<32x128xf32, #tpu.memory_space<vmem_shared>>
      %dma_wait3A_161 = arith.constant 0 : i32
      %dma_wait3A_162 = tpu.memref_slice %arg18[%add3A_44, %dma_wait3A_161] : memref<10112x128xf32, #tpu.memory_space<vmem_shared>> -> memref<32x128xf32, #tpu.memory_space<vmem_shared>>
      tpu.wait_dma2 semaphore(%run_scoped3A : memref<!tpu.dma_semaphore, #tpu.memory_space<semaphore_mem>>) src(%arg15 : memref<32x128xf32, #tpu.memory_space<vmem>>) dst(%dma_wait3A_162 : memref<32x128xf32, #tpu.memory_space<vmem_shared>>)
      tpu.yield
    }) : () -> ()
    %add3A_45 = arith.constant 128 : i32
    %add3A_46 = arith.addi %mul3A_36, %add3A_45 : i32
    "tpu.region"() ({
      %run_scoped3A = tpu.sem_alloc : memref<!tpu.dma_semaphore, #tpu.memory_space<semaphore_mem>>
      %dma_start3A_155 = arith.constant 0 : i32
      %dma_start3A_156 = tpu.memref_slice %arg18[%add3A_46, %dma_start3A_155] : memref<10112x128xf32, #tpu.memory_space<vmem_shared>> -> memref<32x128xf32, #tpu.memory_space<vmem_shared>>
      %dma_start3A_157 = arith.constant 0 : i32
      %dma_start3A_158 = tpu.memref_slice %arg18[%add3A_46, %dma_start3A_157] : memref<10112x128xf32, #tpu.memory_space<vmem_shared>> -> memref<32x128xf32, #tpu.memory_space<vmem_shared>>
      tpu.enqueue_dma source(%arg15 : memref<32x128xf32, #tpu.memory_space<vmem>>) target(%dma_start3A_158 : memref<32x128xf32, #tpu.memory_space<vmem_shared>>) target_semaphore(%run_scoped3A : memref<!tpu.dma_semaphore, #tpu.memory_space<semaphore_mem>>)
      %dma_wait3A_159 = arith.constant 0 : i32
      %dma_wait3A_160 = tpu.memref_slice %arg18[%add3A_46, %dma_wait3A_159] : memref<10112x128xf32, #tpu.memory_space<vmem_shared>> -> memref<32x128xf32, #tpu.memory_space<vmem_shared>>
      %dma_wait3A_161 = arith.constant 0 : i32
      %dma_wait3A_162 = tpu.memref_slice %arg18[%add3A_46, %dma_wait3A_161] : memref<10112x128xf32, #tpu.memory_space<vmem_shared>> -> memref<32x128xf32, #tpu.memory_space<vmem_shared>>
      tpu.wait_dma2 semaphore(%run_scoped3A : memref<!tpu.dma_semaphore, #tpu.memory_space<semaphore_mem>>) src(%arg15 : memref<32x128xf32, #tpu.memory_space<vmem>>) dst(%dma_wait3A_162 : memref<32x128xf32, #tpu.memory_space<vmem_shared>>)
      tpu.yield
    }) : () -> ()
    %add3A_47 = arith.constant 160 : i32
    %add3A_48 = arith.addi %mul3A_36, %add3A_47 : i32
    "tpu.region"() ({
      %run_scoped3A = tpu.sem_alloc : memref<!tpu.dma_semaphore, #tpu.memory_space<semaphore_mem>>
      %dma_start3A_155 = arith.constant 0 : i32
      %dma_start3A_156 = tpu.memref_slice %arg18[%add3A_48, %dma_start3A_155] : memref<10112x128xf32, #tpu.memory_space<vmem_shared>> -> memref<32x128xf32, #tpu.memory_space<vmem_shared>>
      %dma_start3A_157 = arith.constant 0 : i32
      %dma_start3A_158 = tpu.memref_slice %arg18[%add3A_48, %dma_start3A_157] : memref<10112x128xf32, #tpu.memory_space<vmem_shared>> -> memref<32x128xf32, #tpu.memory_space<vmem_shared>>
      tpu.enqueue_dma source(%arg15 : memref<32x128xf32, #tpu.memory_space<vmem>>) target(%dma_start3A_158 : memref<32x128xf32, #tpu.memory_space<vmem_shared>>) target_semaphore(%run_scoped3A : memref<!tpu.dma_semaphore, #tpu.memory_space<semaphore_mem>>)
      %dma_wait3A_159 = arith.constant 0 : i32
      %dma_wait3A_160 = tpu.memref_slice %arg18[%add3A_48, %dma_wait3A_159] : memref<10112x128xf32, #tpu.memory_space<vmem_shared>> -> memref<32x128xf32, #tpu.memory_space<vmem_shared>>
      %dma_wait3A_161 = arith.constant 0 : i32
      %dma_wait3A_162 = tpu.memref_slice %arg18[%add3A_48, %dma_wait3A_161] : memref<10112x128xf32, #tpu.memory_space<vmem_shared>> -> memref<32x128xf32, #tpu.memory_space<vmem_shared>>
      tpu.wait_dma2 semaphore(%run_scoped3A : memref<!tpu.dma_semaphore, #tpu.memory_space<semaphore_mem>>) src(%arg15 : memref<32x128xf32, #tpu.memory_space<vmem>>) dst(%dma_wait3A_162 : memref<32x128xf32, #tpu.memory_space<vmem_shared>>)
      tpu.yield
    }) : () -> ()
    %add3A_49 = arith.constant 192 : i32
    %add3A_50 = arith.addi %mul3A_36, %add3A_49 : i32
    "tpu.region"() ({
      %run_scoped3A = tpu.sem_alloc : memref<!tpu.dma_semaphore, #tpu.memory_space<semaphore_mem>>
      %dma_start3A_155 = arith.constant 0 : i32
      %dma_start3A_156 = tpu.memref_slice %arg18[%add3A_50, %dma_start3A_155] : memref<10112x128xf32, #tpu.memory_space<vmem_shared>> -> memref<32x128xf32, #tpu.memory_space<vmem_shared>>
      %dma_start3A_157 = arith.constant 0 : i32
      %dma_start3A_158 = tpu.memref_slice %arg18[%add3A_50, %dma_start3A_157] : memref<10112x128xf32, #tpu.memory_space<vmem_shared>> -> memref<32x128xf32, #tpu.memory_space<vmem_shared>>
      tpu.enqueue_dma source(%arg15 : memref<32x128xf32, #tpu.memory_space<vmem>>) target(%dma_start3A_158 : memref<32x128xf32, #tpu.memory_space<vmem_shared>>) target_semaphore(%run_scoped3A : memref<!tpu.dma_semaphore, #tpu.memory_space<semaphore_mem>>)
      %dma_wait3A_159 = arith.constant 0 : i32
      %dma_wait3A_160 = tpu.memref_slice %arg18[%add3A_50, %dma_wait3A_159] : memref<10112x128xf32, #tpu.memory_space<vmem_shared>> -> memref<32x128xf32, #tpu.memory_space<vmem_shared>>
      %dma_wait3A_161 = arith.constant 0 : i32
      %dma_wait3A_162 = tpu.memref_slice %arg18[%add3A_50, %dma_wait3A_161] : memref<10112x128xf32, #tpu.memory_space<vmem_shared>> -> memref<32x128xf32, #tpu.memory_space<vmem_shared>>
      tpu.wait_dma2 semaphore(%run_scoped3A : memref<!tpu.dma_semaphore, #tpu.memory_space<semaphore_mem>>) src(%arg15 : memref<32x128xf32, #tpu.memory_space<vmem>>) dst(%dma_wait3A_162 : memref<32x128xf32, #tpu.memory_space<vmem_shared>>)
      tpu.yield
    }) : () -> ()
    %add3A_51 = arith.constant 224 : i32
    %add3A_52 = arith.addi %mul3A_36, %add3A_51 : i32
    "tpu.region"() ({
      %run_scoped3A = tpu.sem_alloc : memref<!tpu.dma_semaphore, #tpu.memory_space<semaphore_mem>>
      %dma_start3A_155 = arith.constant 0 : i32
      %dma_start3A_156 = tpu.memref_slice %arg18[%add3A_52, %dma_start3A_155] : memref<10112x128xf32, #tpu.memory_space<vmem_shared>> -> memref<32x128xf32, #tpu.memory_space<vmem_shared>>
      %dma_start3A_157 = arith.constant 0 : i32
      %dma_start3A_158 = tpu.memref_slice %arg18[%add3A_52, %dma_start3A_157] : memref<10112x128xf32, #tpu.memory_space<vmem_shared>> -> memref<32x128xf32, #tpu.memory_space<vmem_shared>>
      tpu.enqueue_dma source(%arg15 : memref<32x128xf32, #tpu.memory_space<vmem>>) target(%dma_start3A_158 : memref<32x128xf32, #tpu.memory_space<vmem_shared>>) target_semaphore(%run_scoped3A : memref<!tpu.dma_semaphore, #tpu.memory_space<semaphore_mem>>)
      %dma_wait3A_159 = arith.constant 0 : i32
      %dma_wait3A_160 = tpu.memref_slice %arg18[%add3A_52, %dma_wait3A_159] : memref<10112x128xf32, #tpu.memory_space<vmem_shared>> -> memref<32x128xf32, #tpu.memory_space<vmem_shared>>
      %dma_wait3A_161 = arith.constant 0 : i32
      %dma_wait3A_162 = tpu.memref_slice %arg18[%add3A_52, %dma_wait3A_161] : memref<10112x128xf32, #tpu.memory_space<vmem_shared>> -> memref<32x128xf32, #tpu.memory_space<vmem_shared>>
      tpu.wait_dma2 semaphore(%run_scoped3A : memref<!tpu.dma_semaphore, #tpu.memory_space<semaphore_mem>>) src(%arg15 : memref<32x128xf32, #tpu.memory_space<vmem>>) dst(%dma_wait3A_162 : memref<32x128xf32, #tpu.memory_space<vmem_shared>>)
      tpu.yield
    }) : () -> ()
    %add3A_53 = arith.constant 256 : i32
    %add3A_54 = arith.addi %mul3A_36, %add3A_53 : i32
    "tpu.region"() ({
      %run_scoped3A = tpu.sem_alloc : memref<!tpu.dma_semaphore, #tpu.memory_space<semaphore_mem>>
      %dma_start3A_155 = arith.constant 0 : i32
      %dma_start3A_156 = tpu.memref_slice %arg18[%add3A_54, %dma_start3A_155] : memref<10112x128xf32, #tpu.memory_space<vmem_shared>> -> memref<32x128xf32, #tpu.memory_space<vmem_shared>>
      %dma_start3A_157 = arith.constant 0 : i32
      %dma_start3A_158 = tpu.memref_slice %arg18[%add3A_54, %dma_start3A_157] : memref<10112x128xf32, #tpu.memory_space<vmem_shared>> -> memref<32x128xf32, #tpu.memory_space<vmem_shared>>
      tpu.enqueue_dma source(%arg15 : memref<32x128xf32, #tpu.memory_space<vmem>>) target(%dma_start3A_158 : memref<32x128xf32, #tpu.memory_space<vmem_shared>>) target_semaphore(%run_scoped3A : memref<!tpu.dma_semaphore, #tpu.memory_space<semaphore_mem>>)
      %dma_wait3A_159 = arith.constant 0 : i32
      %dma_wait3A_160 = tpu.memref_slice %arg18[%add3A_54, %dma_wait3A_159] : memref<10112x128xf32, #tpu.memory_space<vmem_shared>> -> memref<32x128xf32, #tpu.memory_space<vmem_shared>>
      %dma_wait3A_161 = arith.constant 0 : i32
      %dma_wait3A_162 = tpu.memref_slice %arg18[%add3A_54, %dma_wait3A_161] : memref<10112x128xf32, #tpu.memory_space<vmem_shared>> -> memref<32x128xf32, #tpu.memory_space<vmem_shared>>
      tpu.wait_dma2 semaphore(%run_scoped3A : memref<!tpu.dma_semaphore, #tpu.memory_space<semaphore_mem>>) src(%arg15 : memref<32x128xf32, #tpu.memory_space<vmem>>) dst(%dma_wait3A_162 : memref<32x128xf32, #tpu.memory_space<vmem_shared>>)
      tpu.yield
    }) : () -> ()
    %add3A_55 = arith.constant 288 : i32
    %add3A_56 = arith.addi %mul3A_36, %add3A_55 : i32
    "tpu.region"() ({
      %run_scoped3A = tpu.sem_alloc : memref<!tpu.dma_semaphore, #tpu.memory_space<semaphore_mem>>
      %dma_start3A_155 = arith.constant 0 : i32
      %dma_start3A_156 = tpu.memref_slice %arg18[%add3A_56, %dma_start3A_155] : memref<10112x128xf32, #tpu.memory_space<vmem_shared>> -> memref<32x128xf32, #tpu.memory_space<vmem_shared>>
      %dma_start3A_157 = arith.constant 0 : i32
      %dma_start3A_158 = tpu.memref_slice %arg18[%add3A_56, %dma_start3A_157] : memref<10112x128xf32, #tpu.memory_space<vmem_shared>> -> memref<32x128xf32, #tpu.memory_space<vmem_shared>>
      tpu.enqueue_dma source(%arg15 : memref<32x128xf32, #tpu.memory_space<vmem>>) target(%dma_start3A_158 : memref<32x128xf32, #tpu.memory_space<vmem_shared>>) target_semaphore(%run_scoped3A : memref<!tpu.dma_semaphore, #tpu.memory_space<semaphore_mem>>)
      %dma_wait3A_159 = arith.constant 0 : i32
      %dma_wait3A_160 = tpu.memref_slice %arg18[%add3A_56, %dma_wait3A_159] : memref<10112x128xf32, #tpu.memory_space<vmem_shared>> -> memref<32x128xf32, #tpu.memory_space<vmem_shared>>
      %dma_wait3A_161 = arith.constant 0 : i32
      %dma_wait3A_162 = tpu.memref_slice %arg18[%add3A_56, %dma_wait3A_161] : memref<10112x128xf32, #tpu.memory_space<vmem_shared>> -> memref<32x128xf32, #tpu.memory_space<vmem_shared>>
      tpu.wait_dma2 semaphore(%run_scoped3A : memref<!tpu.dma_semaphore, #tpu.memory_space<semaphore_mem>>) src(%arg15 : memref<32x128xf32, #tpu.memory_space<vmem>>) dst(%dma_wait3A_162 : memref<32x128xf32, #tpu.memory_space<vmem_shared>>)
      tpu.yield
    }) : () -> ()
    %add3A_57 = arith.constant 320 : i32
    %add3A_58 = arith.addi %mul3A_36, %add3A_57 : i32
    "tpu.region"() ({
      %run_scoped3A = tpu.sem_alloc : memref<!tpu.dma_semaphore, #tpu.memory_space<semaphore_mem>>
      %dma_start3A_155 = arith.constant 0 : i32
      %dma_start3A_156 = tpu.memref_slice %arg18[%add3A_58, %dma_start3A_155] : memref<10112x128xf32, #tpu.memory_space<vmem_shared>> -> memref<32x128xf32, #tpu.memory_space<vmem_shared>>
      %dma_start3A_157 = arith.constant 0 : i32
      %dma_start3A_158 = tpu.memref_slice %arg18[%add3A_58, %dma_start3A_157] : memref<10112x128xf32, #tpu.memory_space<vmem_shared>> -> memref<32x128xf32, #tpu.memory_space<vmem_shared>>
      tpu.enqueue_dma source(%arg15 : memref<32x128xf32, #tpu.memory_space<vmem>>) target(%dma_start3A_158 : memref<32x128xf32, #tpu.memory_space<vmem_shared>>) target_semaphore(%run_scoped3A : memref<!tpu.dma_semaphore, #tpu.memory_space<semaphore_mem>>)
      %dma_wait3A_159 = arith.constant 0 : i32
      %dma_wait3A_160 = tpu.memref_slice %arg18[%add3A_58, %dma_wait3A_159] : memref<10112x128xf32, #tpu.memory_space<vmem_shared>> -> memref<32x128xf32, #tpu.memory_space<vmem_shared>>
      %dma_wait3A_161 = arith.constant 0 : i32
      %dma_wait3A_162 = tpu.memref_slice %arg18[%add3A_58, %dma_wait3A_161] : memref<10112x128xf32, #tpu.memory_space<vmem_shared>> -> memref<32x128xf32, #tpu.memory_space<vmem_shared>>
      tpu.wait_dma2 semaphore(%run_scoped3A : memref<!tpu.dma_semaphore, #tpu.memory_space<semaphore_mem>>) src(%arg15 : memref<32x128xf32, #tpu.memory_space<vmem>>) dst(%dma_wait3A_162 : memref<32x128xf32, #tpu.memory_space<vmem_shared>>)
      tpu.yield
    }) : () -> ()
    %add3A_59 = arith.constant 352 : i32
    %add3A_60 = arith.addi %mul3A_36, %add3A_59 : i32
    "tpu.region"() ({
      %run_scoped3A = tpu.sem_alloc : memref<!tpu.dma_semaphore, #tpu.memory_space<semaphore_mem>>
      %dma_start3A_155 = arith.constant 0 : i32
      %dma_start3A_156 = tpu.memref_slice %arg18[%add3A_60, %dma_start3A_155] : memref<10112x128xf32, #tpu.memory_space<vmem_shared>> -> memref<32x128xf32, #tpu.memory_space<vmem_shared>>
      %dma_start3A_157 = arith.constant 0 : i32
      %dma_start3A_158 = tpu.memref_slice %arg18[%add3A_60, %dma_start3A_157] : memref<10112x128xf32, #tpu.memory_space<vmem_shared>> -> memref<32x128xf32, #tpu.memory_space<vmem_shared>>
      tpu.enqueue_dma source(%arg15 : memref<32x128xf32, #tpu.memory_space<vmem>>) target(%dma_start3A_158 : memref<32x128xf32, #tpu.memory_space<vmem_shared>>) target_semaphore(%run_scoped3A : memref<!tpu.dma_semaphore, #tpu.memory_space<semaphore_mem>>)
      %dma_wait3A_159 = arith.constant 0 : i32
      %dma_wait3A_160 = tpu.memref_slice %arg18[%add3A_60, %dma_wait3A_159] : memref<10112x128xf32, #tpu.memory_space<vmem_shared>> -> memref<32x128xf32, #tpu.memory_space<vmem_shared>>
      %dma_wait3A_161 = arith.constant 0 : i32
      %dma_wait3A_162 = tpu.memref_slice %arg18[%add3A_60, %dma_wait3A_161] : memref<10112x128xf32, #tpu.memory_space<vmem_shared>> -> memref<32x128xf32, #tpu.memory_space<vmem_shared>>
      tpu.wait_dma2 semaphore(%run_scoped3A : memref<!tpu.dma_semaphore, #tpu.memory_space<semaphore_mem>>) src(%arg15 : memref<32x128xf32, #tpu.memory_space<vmem>>) dst(%dma_wait3A_162 : memref<32x128xf32, #tpu.memory_space<vmem_shared>>)
      tpu.yield
    }) : () -> ()
    %add3A_61 = arith.constant 384 : i32
    %add3A_62 = arith.addi %mul3A_36, %add3A_61 : i32
    "tpu.region"() ({
      %run_scoped3A = tpu.sem_alloc : memref<!tpu.dma_semaphore, #tpu.memory_space<semaphore_mem>>
      %dma_start3A_155 = arith.constant 0 : i32
      %dma_start3A_156 = tpu.memref_slice %arg18[%add3A_62, %dma_start3A_155] : memref<10112x128xf32, #tpu.memory_space<vmem_shared>> -> memref<32x128xf32, #tpu.memory_space<vmem_shared>>
      %dma_start3A_157 = arith.constant 0 : i32
      %dma_start3A_158 = tpu.memref_slice %arg18[%add3A_62, %dma_start3A_157] : memref<10112x128xf32, #tpu.memory_space<vmem_shared>> -> memref<32x128xf32, #tpu.memory_space<vmem_shared>>
      tpu.enqueue_dma source(%arg15 : memref<32x128xf32, #tpu.memory_space<vmem>>) target(%dma_start3A_158 : memref<32x128xf32, #tpu.memory_space<vmem_shared>>) target_semaphore(%run_scoped3A : memref<!tpu.dma_semaphore, #tpu.memory_space<semaphore_mem>>)
      %dma_wait3A_159 = arith.constant 0 : i32
      %dma_wait3A_160 = tpu.memref_slice %arg18[%add3A_62, %dma_wait3A_159] : memref<10112x128xf32, #tpu.memory_space<vmem_shared>> -> memref<32x128xf32, #tpu.memory_space<vmem_shared>>
      %dma_wait3A_161 = arith.constant 0 : i32
      %dma_wait3A_162 = tpu.memref_slice %arg18[%add3A_62, %dma_wait3A_161] : memref<10112x128xf32, #tpu.memory_space<vmem_shared>> -> memref<32x128xf32, #tpu.memory_space<vmem_shared>>
      tpu.wait_dma2 semaphore(%run_scoped3A : memref<!tpu.dma_semaphore, #tpu.memory_space<semaphore_mem>>) src(%arg15 : memref<32x128xf32, #tpu.memory_space<vmem>>) dst(%dma_wait3A_162 : memref<32x128xf32, #tpu.memory_space<vmem_shared>>)
      tpu.yield
    }) : () -> ()
    %add3A_63 = arith.constant 416 : i32
    %add3A_64 = arith.addi %mul3A_36, %add3A_63 : i32
    "tpu.region"() ({
      %run_scoped3A = tpu.sem_alloc : memref<!tpu.dma_semaphore, #tpu.memory_space<semaphore_mem>>
      %dma_start3A_155 = arith.constant 0 : i32
      %dma_start3A_156 = tpu.memref_slice %arg18[%add3A_64, %dma_start3A_155] : memref<10112x128xf32, #tpu.memory_space<vmem_shared>> -> memref<32x128xf32, #tpu.memory_space<vmem_shared>>
      %dma_start3A_157 = arith.constant 0 : i32
      %dma_start3A_158 = tpu.memref_slice %arg18[%add3A_64, %dma_start3A_157] : memref<10112x128xf32, #tpu.memory_space<vmem_shared>> -> memref<32x128xf32, #tpu.memory_space<vmem_shared>>
      tpu.enqueue_dma source(%arg15 : memref<32x128xf32, #tpu.memory_space<vmem>>) target(%dma_start3A_158 : memref<32x128xf32, #tpu.memory_space<vmem_shared>>) target_semaphore(%run_scoped3A : memref<!tpu.dma_semaphore, #tpu.memory_space<semaphore_mem>>)
      %dma_wait3A_159 = arith.constant 0 : i32
      %dma_wait3A_160 = tpu.memref_slice %arg18[%add3A_64, %dma_wait3A_159] : memref<10112x128xf32, #tpu.memory_space<vmem_shared>> -> memref<32x128xf32, #tpu.memory_space<vmem_shared>>
      %dma_wait3A_161 = arith.constant 0 : i32
      %dma_wait3A_162 = tpu.memref_slice %arg18[%add3A_64, %dma_wait3A_161] : memref<10112x128xf32, #tpu.memory_space<vmem_shared>> -> memref<32x128xf32, #tpu.memory_space<vmem_shared>>
      tpu.wait_dma2 semaphore(%run_scoped3A : memref<!tpu.dma_semaphore, #tpu.memory_space<semaphore_mem>>) src(%arg15 : memref<32x128xf32, #tpu.memory_space<vmem>>) dst(%dma_wait3A_162 : memref<32x128xf32, #tpu.memory_space<vmem_shared>>)
      tpu.yield
    }) : () -> ()
    %add3A_65 = arith.constant 448 : i32
    %add3A_66 = arith.addi %mul3A_36, %add3A_65 : i32
    "tpu.region"() ({
      %run_scoped3A = tpu.sem_alloc : memref<!tpu.dma_semaphore, #tpu.memory_space<semaphore_mem>>
      %dma_start3A_155 = arith.constant 0 : i32
      %dma_start3A_156 = tpu.memref_slice %arg18[%add3A_66, %dma_start3A_155] : memref<10112x128xf32, #tpu.memory_space<vmem_shared>> -> memref<32x128xf32, #tpu.memory_space<vmem_shared>>
      %dma_start3A_157 = arith.constant 0 : i32
      %dma_start3A_158 = tpu.memref_slice %arg18[%add3A_66, %dma_start3A_157] : memref<10112x128xf32, #tpu.memory_space<vmem_shared>> -> memref<32x128xf32, #tpu.memory_space<vmem_shared>>
      tpu.enqueue_dma source(%arg15 : memref<32x128xf32, #tpu.memory_space<vmem>>) target(%dma_start3A_158 : memref<32x128xf32, #tpu.memory_space<vmem_shared>>) target_semaphore(%run_scoped3A : memref<!tpu.dma_semaphore, #tpu.memory_space<semaphore_mem>>)
      %dma_wait3A_159 = arith.constant 0 : i32
      %dma_wait3A_160 = tpu.memref_slice %arg18[%add3A_66, %dma_wait3A_159] : memref<10112x128xf32, #tpu.memory_space<vmem_shared>> -> memref<32x128xf32, #tpu.memory_space<vmem_shared>>
      %dma_wait3A_161 = arith.constant 0 : i32
      %dma_wait3A_162 = tpu.memref_slice %arg18[%add3A_66, %dma_wait3A_161] : memref<10112x128xf32, #tpu.memory_space<vmem_shared>> -> memref<32x128xf32, #tpu.memory_space<vmem_shared>>
      tpu.wait_dma2 semaphore(%run_scoped3A : memref<!tpu.dma_semaphore, #tpu.memory_space<semaphore_mem>>) src(%arg15 : memref<32x128xf32, #tpu.memory_space<vmem>>) dst(%dma_wait3A_162 : memref<32x128xf32, #tpu.memory_space<vmem_shared>>)
      tpu.yield
    }) : () -> ()
    %add3A_67 = arith.constant 480 : i32
    %add3A_68 = arith.addi %mul3A_36, %add3A_67 : i32
    "tpu.region"() ({
      %run_scoped3A = tpu.sem_alloc : memref<!tpu.dma_semaphore, #tpu.memory_space<semaphore_mem>>
      %dma_start3A_155 = arith.constant 0 : i32
      %dma_start3A_156 = tpu.memref_slice %arg18[%add3A_68, %dma_start3A_155] : memref<10112x128xf32, #tpu.memory_space<vmem_shared>> -> memref<32x128xf32, #tpu.memory_space<vmem_shared>>
      %dma_start3A_157 = arith.constant 0 : i32
      %dma_start3A_158 = tpu.memref_slice %arg18[%add3A_68, %dma_start3A_157] : memref<10112x128xf32, #tpu.memory_space<vmem_shared>> -> memref<32x128xf32, #tpu.memory_space<vmem_shared>>
      tpu.enqueue_dma source(%arg15 : memref<32x128xf32, #tpu.memory_space<vmem>>) target(%dma_start3A_158 : memref<32x128xf32, #tpu.memory_space<vmem_shared>>) target_semaphore(%run_scoped3A : memref<!tpu.dma_semaphore, #tpu.memory_space<semaphore_mem>>)
      %dma_wait3A_159 = arith.constant 0 : i32
      %dma_wait3A_160 = tpu.memref_slice %arg18[%add3A_68, %dma_wait3A_159] : memref<10112x128xf32, #tpu.memory_space<vmem_shared>> -> memref<32x128xf32, #tpu.memory_space<vmem_shared>>
      %dma_wait3A_161 = arith.constant 0 : i32
      %dma_wait3A_162 = tpu.memref_slice %arg18[%add3A_68, %dma_wait3A_161] : memref<10112x128xf32, #tpu.memory_space<vmem_shared>> -> memref<32x128xf32, #tpu.memory_space<vmem_shared>>
      tpu.wait_dma2 semaphore(%run_scoped3A : memref<!tpu.dma_semaphore, #tpu.memory_space<semaphore_mem>>) src(%arg15 : memref<32x128xf32, #tpu.memory_space<vmem>>) dst(%dma_wait3A_162 : memref<32x128xf32, #tpu.memory_space<vmem_shared>>)
      tpu.yield
    }) : () -> ()
    %add3A_69 = arith.constant 512 : i32
    %add3A_70 = arith.addi %mul3A_36, %add3A_69 : i32
    "tpu.region"() ({
      %run_scoped3A = tpu.sem_alloc : memref<!tpu.dma_semaphore, #tpu.memory_space<semaphore_mem>>
      %dma_start3A_155 = arith.constant 0 : i32
      %dma_start3A_156 = tpu.memref_slice %arg18[%add3A_70, %dma_start3A_155] : memref<10112x128xf32, #tpu.memory_space<vmem_shared>> -> memref<32x128xf32, #tpu.memory_space<vmem_shared>>
      %dma_start3A_157 = arith.constant 0 : i32
      %dma_start3A_158 = tpu.memref_slice %arg18[%add3A_70, %dma_start3A_157] : memref<10112x128xf32, #tpu.memory_space<vmem_shared>> -> memref<32x128xf32, #tpu.memory_space<vmem_shared>>
      tpu.enqueue_dma source(%arg15 : memref<32x128xf32, #tpu.memory_space<vmem>>) target(%dma_start3A_158 : memref<32x128xf32, #tpu.memory_space<vmem_shared>>) target_semaphore(%run_scoped3A : memref<!tpu.dma_semaphore, #tpu.memory_space<semaphore_mem>>)
      %dma_wait3A_159 = arith.constant 0 : i32
      %dma_wait3A_160 = tpu.memref_slice %arg18[%add3A_70, %dma_wait3A_159] : memref<10112x128xf32, #tpu.memory_space<vmem_shared>> -> memref<32x128xf32, #tpu.memory_space<vmem_shared>>
      %dma_wait3A_161 = arith.constant 0 : i32
      %dma_wait3A_162 = tpu.memref_slice %arg18[%add3A_70, %dma_wait3A_161] : memref<10112x128xf32, #tpu.memory_space<vmem_shared>> -> memref<32x128xf32, #tpu.memory_space<vmem_shared>>
      tpu.wait_dma2 semaphore(%run_scoped3A : memref<!tpu.dma_semaphore, #tpu.memory_space<semaphore_mem>>) src(%arg15 : memref<32x128xf32, #tpu.memory_space<vmem>>) dst(%dma_wait3A_162 : memref<32x128xf32, #tpu.memory_space<vmem_shared>>)
      tpu.yield
    }) : () -> ()
    %add3A_71 = arith.constant 544 : i32
    %add3A_72 = arith.addi %mul3A_36, %add3A_71 : i32
    "tpu.region"() ({
      %run_scoped3A = tpu.sem_alloc : memref<!tpu.dma_semaphore, #tpu.memory_space<semaphore_mem>>
      %dma_start3A_155 = arith.constant 0 : i32
      %dma_start3A_156 = tpu.memref_slice %arg18[%add3A_72, %dma_start3A_155] : memref<10112x128xf32, #tpu.memory_space<vmem_shared>> -> memref<32x128xf32, #tpu.memory_space<vmem_shared>>
      %dma_start3A_157 = arith.constant 0 : i32
      %dma_start3A_158 = tpu.memref_slice %arg18[%add3A_72, %dma_start3A_157] : memref<10112x128xf32, #tpu.memory_space<vmem_shared>> -> memref<32x128xf32, #tpu.memory_space<vmem_shared>>
      tpu.enqueue_dma source(%arg15 : memref<32x128xf32, #tpu.memory_space<vmem>>) target(%dma_start3A_158 : memref<32x128xf32, #tpu.memory_space<vmem_shared>>) target_semaphore(%run_scoped3A : memref<!tpu.dma_semaphore, #tpu.memory_space<semaphore_mem>>)
      %dma_wait3A_159 = arith.constant 0 : i32
      %dma_wait3A_160 = tpu.memref_slice %arg18[%add3A_72, %dma_wait3A_159] : memref<10112x128xf32, #tpu.memory_space<vmem_shared>> -> memref<32x128xf32, #tpu.memory_space<vmem_shared>>
      %dma_wait3A_161 = arith.constant 0 : i32
      %dma_wait3A_162 = tpu.memref_slice %arg18[%add3A_72, %dma_wait3A_161] : memref<10112x128xf32, #tpu.memory_space<vmem_shared>> -> memref<32x128xf32, #tpu.memory_space<vmem_shared>>
      tpu.wait_dma2 semaphore(%run_scoped3A : memref<!tpu.dma_semaphore, #tpu.memory_space<semaphore_mem>>) src(%arg15 : memref<32x128xf32, #tpu.memory_space<vmem>>) dst(%dma_wait3A_162 : memref<32x128xf32, #tpu.memory_space<vmem_shared>>)
      tpu.yield
    }) : () -> ()
    %add3A_73 = arith.constant 576 : i32
    %add3A_74 = arith.addi %mul3A_36, %add3A_73 : i32
    "tpu.region"() ({
      %run_scoped3A = tpu.sem_alloc : memref<!tpu.dma_semaphore, #tpu.memory_space<semaphore_mem>>
      %dma_start3A_155 = arith.constant 0 : i32
      %dma_start3A_156 = tpu.memref_slice %arg18[%add3A_74, %dma_start3A_155] : memref<10112x128xf32, #tpu.memory_space<vmem_shared>> -> memref<32x128xf32, #tpu.memory_space<vmem_shared>>
      %dma_start3A_157 = arith.constant 0 : i32
      %dma_start3A_158 = tpu.memref_slice %arg18[%add3A_74, %dma_start3A_157] : memref<10112x128xf32, #tpu.memory_space<vmem_shared>> -> memref<32x128xf32, #tpu.memory_space<vmem_shared>>
      tpu.enqueue_dma source(%arg15 : memref<32x128xf32, #tpu.memory_space<vmem>>) target(%dma_start3A_158 : memref<32x128xf32, #tpu.memory_space<vmem_shared>>) target_semaphore(%run_scoped3A : memref<!tpu.dma_semaphore, #tpu.memory_space<semaphore_mem>>)
      %dma_wait3A_159 = arith.constant 0 : i32
      %dma_wait3A_160 = tpu.memref_slice %arg18[%add3A_74, %dma_wait3A_159] : memref<10112x128xf32, #tpu.memory_space<vmem_shared>> -> memref<32x128xf32, #tpu.memory_space<vmem_shared>>
      %dma_wait3A_161 = arith.constant 0 : i32
      %dma_wait3A_162 = tpu.memref_slice %arg18[%add3A_74, %dma_wait3A_161] : memref<10112x128xf32, #tpu.memory_space<vmem_shared>> -> memref<32x128xf32, #tpu.memory_space<vmem_shared>>
      tpu.wait_dma2 semaphore(%run_scoped3A : memref<!tpu.dma_semaphore, #tpu.memory_space<semaphore_mem>>) src(%arg15 : memref<32x128xf32, #tpu.memory_space<vmem>>) dst(%dma_wait3A_162 : memref<32x128xf32, #tpu.memory_space<vmem_shared>>)
      tpu.yield
    }) : () -> ()
    %add3A_75 = arith.constant 632 : i32
    %add3A_76 = arith.addi %mul3A_36, %add3A_75 : i32
    %sub3A = arith.constant 24 : i32
    %sub3A_77 = arith.subi %add3A_76, %sub3A : i32
    "tpu.region"() ({
      %run_scoped3A = tpu.sem_alloc : memref<!tpu.dma_semaphore, #tpu.memory_space<semaphore_mem>>
      %dma_start3A_155 = arith.constant 0 : i32
      %dma_start3A_156 = arith.constant 0 : i32
      %dma_start3A_157 = tpu.memref_slice %arg15[%dma_start3A_155, %dma_start3A_156] : memref<32x128xf32, #tpu.memory_space<vmem>> -> memref<24x128xf32, #tpu.memory_space<vmem>>
      %dma_start3A_158 = arith.constant 0 : i32
      %dma_start3A_159 = tpu.memref_slice %arg18[%sub3A_77, %dma_start3A_158] : memref<10112x128xf32, #tpu.memory_space<vmem_shared>> -> memref<24x128xf32, #tpu.memory_space<vmem_shared>>
      %dma_start3A_160 = arith.constant 0 : i32
      %dma_start3A_161 = tpu.memref_slice %arg18[%sub3A_77, %dma_start3A_160] : memref<10112x128xf32, #tpu.memory_space<vmem_shared>> -> memref<24x128xf32, #tpu.memory_space<vmem_shared>>
      %dma_start3A_162 = arith.constant 0 : i32
      %dma_start3A_163 = arith.constant 0 : i32
      %dma_start3A_164 = tpu.memref_slice %arg15[%dma_start3A_162, %dma_start3A_163] : memref<32x128xf32, #tpu.memory_space<vmem>> -> memref<24x128xf32, #tpu.memory_space<vmem>>
      tpu.enqueue_dma source(%dma_start3A_164 : memref<24x128xf32, #tpu.memory_space<vmem>>) target(%dma_start3A_161 : memref<24x128xf32, #tpu.memory_space<vmem_shared>>) target_semaphore(%run_scoped3A : memref<!tpu.dma_semaphore, #tpu.memory_space<semaphore_mem>>)
      %dma_wait3A_165 = arith.constant 0 : i32
      %dma_wait3A_166 = arith.constant 0 : i32
      %dma_wait3A_167 = tpu.memref_slice %arg15[%dma_wait3A_165, %dma_wait3A_166] : memref<32x128xf32, #tpu.memory_space<vmem>> -> memref<24x128xf32, #tpu.memory_space<vmem>>
      %dma_wait3A_168 = arith.constant 0 : i32
      %dma_wait3A_169 = tpu.memref_slice %arg18[%sub3A_77, %dma_wait3A_168] : memref<10112x128xf32, #tpu.memory_space<vmem_shared>> -> memref<24x128xf32, #tpu.memory_space<vmem_shared>>
      %dma_wait3A_170 = arith.constant 0 : i32
      %dma_wait3A_171 = tpu.memref_slice %arg18[%sub3A_77, %dma_wait3A_170] : memref<10112x128xf32, #tpu.memory_space<vmem_shared>> -> memref<24x128xf32, #tpu.memory_space<vmem_shared>>
      %dma_wait3A_172 = arith.constant 0 : i32
      %dma_wait3A_173 = arith.constant 0 : i32
      %dma_wait3A_174 = tpu.memref_slice %arg15[%dma_wait3A_172, %dma_wait3A_173] : memref<32x128xf32, #tpu.memory_space<vmem>> -> memref<24x128xf32, #tpu.memory_space<vmem>>
      tpu.wait_dma2 semaphore(%run_scoped3A : memref<!tpu.dma_semaphore, #tpu.memory_space<semaphore_mem>>) src(%dma_wait3A_174 : memref<24x128xf32, #tpu.memory_space<vmem>>) dst(%dma_wait3A_171 : memref<24x128xf32, #tpu.memory_space<vmem_shared>>)
      tpu.yield
    }) : () -> ()
    %barrier3A = arith.constant 0 : index
    tpu.barrier barrier_id(%barrier3A)
    %dma_wait3A = arith.constant 0 : i32
    %dma_wait3A_78 = tpu.memref_slice %arg3[%dma_wait3A] : memref<323584xi32, #tpu.memory_space<hbm>> -> memref<32xi32, #tpu.memory_space<hbm>>
    %dma_wait3A_79 = arith.constant 0 : i32
    %dma_wait3A_80 = tpu.memref_slice %arg3[%dma_wait3A_79] : memref<323584xi32, #tpu.memory_space<hbm>> -> memref<32xi32, #tpu.memory_space<hbm>>
    tpu.wait_dma2 semaphore(%arg21 : memref<!tpu.dma_semaphore, #tpu.memory_space<semaphore_mem>>) src(%dma_wait3A_80 : memref<32xi32, #tpu.memory_space<hbm>>) dst(%arg7 : memref<32xi32, #tpu.memory_space<vmem>>)
    %dma_wait3A_81 = arith.constant 0 : i32
    %dma_wait3A_82 = tpu.memref_slice %arg4[%dma_wait3A_81] : memref<323584xi32, #tpu.memory_space<hbm>> -> memref<32xi32, #tpu.memory_space<hbm>>
    %dma_wait3A_83 = arith.constant 0 : i32
    %dma_wait3A_84 = tpu.memref_slice %arg4[%dma_wait3A_83] : memref<323584xi32, #tpu.memory_space<hbm>> -> memref<32xi32, #tpu.memory_space<hbm>>
    tpu.wait_dma2 semaphore(%arg21 : memref<!tpu.dma_semaphore, #tpu.memory_space<semaphore_mem>>) src(%dma_wait3A_84 : memref<32xi32, #tpu.memory_space<hbm>>) dst(%arg11 : memref<32xi32, #tpu.memory_space<vmem>>)
    %get3A = arith.constant 0 : index
    %get3A_85 = tpu.vector_load %arg7[%get3A] {strides = array<i32>} : memref<32xi32, #tpu.memory_space<vmem>>, vector<16xi32>,
    %get3A_86 = arith.constant 0 : index
    %get3A_87 = tpu.vector_load %arg11[%get3A_86] {strides = array<i32>} : memref<32xi32, #tpu.memory_space<vmem>>, vector<16xi32>,
    %ne3A = arith.cmpi ne, %get3A_85, %get3A_87 : vector<16xi32>
    %unique3A, %unique3A_88 = tpu.scan_count mask(%ne3A : vector<16xi1>) value(%get3A_87 : vector<16xi32>) : vector<16xi1>, vector<16xi32>
    %convert_element_type3A = arith.sitofp %unique3A_88 : vector<16xi32> to vector<16xf32>
    tpu.vector_store_idx %arg17[%get3A_87], %convert_element_type3A masked %unique3A {add = true} : memref<10112xf32, #tpu.memory_space<vmem>>[vector<16xi32>], vector<16xf32>, vector<16xi1>
    %add3A_89 = arith.constant 10000 : i32
    %add3A_90 = vector.broadcast %add3A_89 : i32 to vector<16xi32>
    %add3A_91 = arith.addi %add3A_90, %iota3A : vector<16xi32>
    %select_n3A = arith.select %ne3A, %get3A_87, %add3A_91 : vector<16xi1>, vector<16xi32>
    %swap3A = arith.constant 0 : index
    %swap3A_92 = tpu.vector_load %arg11[%swap3A] {strides = array<i32>} : memref<32xi32, #tpu.memory_space<vmem>>, vector<16xi32>,
    tpu.vector_store %arg11[%swap3A], %select_n3A {strides = array<i32>} : memref<32xi32, #tpu.memory_space<vmem>>, vector<16xi32>,
    %get3A_93 = arith.constant 16 : index
    %get3A_94 = tpu.vector_load %arg7[%get3A_93] {strides = array<i32>} : memref<32xi32, #tpu.memory_space<vmem>>, vector<16xi32>,
    %get3A_95 = arith.constant 16 : index
    %get3A_96 = tpu.vector_load %arg11[%get3A_95] {strides = array<i32>} : memref<32xi32, #tpu.memory_space<vmem>>, vector<16xi32>,
    %ne3A_97 = arith.cmpi ne, %get3A_94, %get3A_96 : vector<16xi32>
    %unique3A_98, %unique3A_99 = tpu.scan_count mask(%ne3A_97 : vector<16xi1>) value(%get3A_96 : vector<16xi32>) : vector<16xi1>, vector<16xi32>
    %convert_element_type3A_100 = arith.sitofp %unique3A_99 : vector<16xi32> to vector<16xf32>
    tpu.vector_store_idx %arg17[%get3A_96], %convert_element_type3A_100 masked %unique3A_98 {add = true} : memref<10112xf32, #tpu.memory_space<vmem>>[vector<16xi32>], vector<16xf32>, vector<16xi1>
    %add3A_101 = arith.constant 10000 : i32
    %add3A_102 = vector.broadcast %add3A_101 : i32 to vector<16xi32>
    %add3A_103 = arith.addi %add3A_102, %iota3A : vector<16xi32>
    %select_n3A_104 = arith.select %ne3A_97, %get3A_96, %add3A_103 : vector<16xi1>, vector<16xi32>
    %swap3A_105 = arith.constant 16 : index
    %swap3A_106 = tpu.vector_load %arg11[%swap3A_105] {strides = array<i32>} : memref<32xi32, #tpu.memory_space<vmem>>, vector<16xi32>,
    tpu.vector_store %arg11[%swap3A_105], %select_n3A_104 {strides = array<i32>} : memref<32xi32, #tpu.memory_space<vmem>>, vector<16xi32>,
    %dma_start3A_107 = arith.constant 0 : i32
    %dma_start3A_108 = arith.constant 0 : i32
    %dma_start3A_109 = tpu.memref_slice %arg2[%dma_start3A_107, %dma_start3A_108] : memref<10000x128xf32, #tpu.memory_space<hbm>> -> memref<10000x128xf32, #tpu.memory_space<hbm>>
    tpu.enqueue_indirect_dma source(%dma_start3A_109 : memref<10000x128xf32, #tpu.memory_space<hbm>>) target(%arg15 : memref<32x128xf32, #tpu.memory_space<vmem>>) offsets(%arg7 : memref<32xi32, #tpu.memory_space<vmem>>) semaphore(%arg19 : memref<!tpu.dma_semaphore, #tpu.memory_space<semaphore_mem>>)
    %dma_wait3A_110 = arith.constant 0 : i32
    %dma_wait3A_111 = tpu.memref_slice %arg3[%dma_wait3A_110] : memref<323584xi32, #tpu.memory_space<hbm>> -> memref<32xi32, #tpu.memory_space<hbm>>
    %dma_wait3A_112 = arith.constant 0 : i32
    %dma_wait3A_113 = tpu.memref_slice %arg3[%dma_wait3A_112] : memref<323584xi32, #tpu.memory_space<hbm>> -> memref<32xi32, #tpu.memory_space<hbm>>
    tpu.wait_dma2 semaphore(%arg22 : memref<!tpu.dma_semaphore, #tpu.memory_space<semaphore_mem>>) src(%dma_wait3A_113 : memref<32xi32, #tpu.memory_space<hbm>>) dst(%arg8 : memref<32xi32, #tpu.memory_space<vmem>>)
    %dma_wait3A_114 = arith.constant 0 : i32
    %dma_wait3A_115 = tpu.memref_slice %arg4[%dma_wait3A_114] : memref<323584xi32, #tpu.memory_space<hbm>> -> memref<32xi32, #tpu.memory_space<hbm>>
    %dma_wait3A_116 = arith.constant 0 : i32
    %dma_wait3A_117 = tpu.memref_slice %arg4[%dma_wait3A_116] : memref<323584xi32, #tpu.memory_space<hbm>> -> memref<32xi32, #tpu.memory_space<hbm>>
    tpu.wait_dma2 semaphore(%arg22 : memref<!tpu.dma_semaphore, #tpu.memory_space<semaphore_mem>>) src(%dma_wait3A_117 : memref<32xi32, #tpu.memory_space<hbm>>) dst(%arg12 : memref<32xi32, #tpu.memory_space<vmem>>)
    %get3A_118 = arith.constant 0 : index
    %get3A_119 = tpu.vector_load %arg8[%get3A_118] {strides = array<i32>} : memref<32xi32, #tpu.memory_space<vmem>>, vector<16xi32>,
    %get3A_120 = arith.constant 0 : index
    %get3A_121 = tpu.vector_load %arg12[%get3A_120] {strides = array<i32>} : memref<32xi32, #tpu.memory_space<vmem>>, vector<16xi32>,
    %ne3A_122 = arith.cmpi ne, %get3A_119, %get3A_121 : vector<16xi32>
    %unique3A_123, %unique3A_124 = tpu.scan_count mask(%ne3A_122 : vector<16xi1>) value(%get3A_121 : vector<16xi32>) : vector<16xi1>, vector<16xi32>
    %convert_element_type3A_125 = arith.sitofp %unique3A_124 : vector<16xi32> to vector<16xf32>
    tpu.vector_store_idx %arg17[%get3A_121], %convert_element_type3A_125 masked %unique3A_123 {add = true} : memref<10112xf32, #tpu.memory_space<vmem>>[vector<16xi32>], vector<16xf32>, vector<16xi1>
    %add3A_126 = arith.constant 10000 : i32
    %add3A_127 = vector.broadcast %add3A_126 : i32 to vector<16xi32>
    %add3A_128 = arith.addi %add3A_127, %iota3A : vector<16xi32>
    %select_n3A_129 = arith.select %ne3A_122, %get3A_121, %add3A_128 : vector<16xi1>, vector<16xi32>
    %swap3A_130 = arith.constant 0 : index
    %swap3A_131 = tpu.vector_load %arg12[%swap3A_130] {strides = array<i32>} : memref<32xi32, #tpu.memory_space<vmem>>, vector<16xi32>,
    tpu.vector_store %arg12[%swap3A_130], %select_n3A_129 {strides = array<i32>} : memref<32xi32, #tpu.memory_space<vmem>>, vector<16xi32>,
    %get3A_132 = arith.constant 16 : index
    %get3A_133 = tpu.vector_load %arg8[%get3A_132] {strides = array<i32>} : memref<32xi32, #tpu.memory_space<vmem>>, vector<16xi32>,
    %get3A_134 = arith.constant 16 : index
    %get3A_135 = tpu.vector_load %arg12[%get3A_134] {strides = array<i32>} : memref<32xi32, #tpu.memory_space<vmem>>, vector<16xi32>,
    %ne3A_136 = arith.cmpi ne, %get3A_133, %get3A_135 : vector<16xi32>
    %unique3A_137, %unique3A_138 = tpu.scan_count mask(%ne3A_136 : vector<16xi1>) value(%get3A_135 : vector<16xi32>) : vector<16xi1>, vector<16xi32>
    %convert_element_type3A_139 = arith.sitofp %unique3A_138 : vector<16xi32> to vector<16xf32>
    tpu.vector_store_idx %arg17[%get3A_135], %convert_element_type3A_139 masked %unique3A_137 {add = true} : memref<10112xf32, #tpu.memory_space<vmem>>[vector<16xi32>], vector<16xf32>, vector<16xi1>
    %add3A_140 = arith.constant 10000 : i32
    %add3A_141 = vector.broadcast %add3A_140 : i32 to vector<16xi32>
    %add3A_142 = arith.addi %add3A_141, %iota3A : vector<16xi32>
    %select_n3A_143 = arith.select %ne3A_136, %get3A_135, %add3A_142 : vector<16xi1>, vector<16xi32>
    %swap3A_144 = arith.constant 16 : index
    %swap3A_145 = tpu.vector_load %arg12[%swap3A_144] {strides = array<i32>} : memref<32xi32, #tpu.memory_space<vmem>>, vector<16xi32>,
    tpu.vector_store %arg12[%swap3A_144], %select_n3A_143 {strides = array<i32>} : memref<32xi32, #tpu.memory_space<vmem>>, vector<16xi32>,
    %dma_start3A_146 = arith.constant 0 : i32
    %dma_start3A_147 = arith.constant 0 : i32
    %dma_start3A_148 = tpu.memref_slice %arg2[%dma_start3A_146, %dma_start3A_147] : memref<10000x128xf32, #tpu.memory_space<hbm>> -> memref<10000x128xf32, #tpu.memory_space<hbm>>
    tpu.enqueue_indirect_dma source(%dma_start3A_148 : memref<10000x128xf32, #tpu.memory_space<hbm>>) target(%arg16 : memref<32x128xf32, #tpu.memory_space<vmem>>) offsets(%arg8 : memref<32xi32, #tpu.memory_space<vmem>>) semaphore(%arg20 : memref<!tpu.dma_semaphore, #tpu.memory_space<semaphore_mem>>)
    %scan3A_149 = arith.constant 0 : i32
    %scan3A_150 = arith.constant 79 : i32
    %scan3A_151 = arith.addi %scan3A_149, %scan3A_150 : i32
    %scan3A_152 = arith.constant 1 : i32
    scf.for %scan3A_155 = %scan3A_149 to %scan3A_151 step %scan3A_152  : i32 {
      %mul3A_156 = arith.constant 1 : i32
      %mul3A_157 = arith.muli %scan3A_155, %mul3A_156 : i32
      %add3A_158 = arith.constant 0 : i32
      %add3A_159 = arith.addi %add3A_158, %mul3A_157 : i32
      %mul3A_160 = arith.constant 4 : i32
      %mul3A_161 = arith.muli %add3A_159, %mul3A_160 : i32
      %add3A_162 = arith.constant 0 : i32
      %add3A_163 = arith.addi %mul3A_161, %add3A_162 : i32
      %dma_wait3A_164 = arith.constant 0 : i32
      %dma_wait3A_165 = arith.constant 0 : i32
      %dma_wait3A_166 = tpu.memref_slice %arg2[%dma_wait3A_164, %dma_wait3A_165] : memref<10000x128xf32, #tpu.memory_space<hbm>> -> memref<10000x128xf32, #tpu.memory_space<hbm>>
      tpu.wait_indirect_dma semaphore(%arg19 : memref<!tpu.dma_semaphore, #tpu.memory_space<semaphore_mem>>) src(%dma_wait3A_166 : memref<10000x128xf32, #tpu.memory_space<hbm>>) dst(%arg15 : memref<32x128xf32, #tpu.memory_space<vmem>>)
      "tpu.region"() ({
        %run_scoped3A = tpu.sem_alloc : memref<!tpu.dma_semaphore, #tpu.memory_space<semaphore_mem>>
        %dma_start3A_242 = arith.constant 0 : i32
        %dma_start3A_243 = arith.constant 0 : i32
        %dma_start3A_244 = tpu.memref_slice %arg18[%dma_start3A_242, %dma_start3A_243] : memref<10112x128xf32, #tpu.memory_space<vmem_shared>> -> memref<10112x128xf32, #tpu.memory_space<vmem_shared>>
        tpu.enqueue_indirect_dma source(%arg15 : memref<32x128xf32, #tpu.memory_space<vmem>>) target(%dma_start3A_244 : memref<10112x128xf32, #tpu.memory_space<vmem_shared>>) offsets(%arg11 : memref<32xi32, #tpu.memory_space<vmem>>) semaphore(%run_scoped3A : memref<!tpu.dma_semaphore, #tpu.memory_space<semaphore_mem>>) {add = true}
        %dma_wait3A_245 = arith.constant 0 : i32
        %dma_wait3A_246 = arith.constant 0 : i32
        %dma_wait3A_247 = tpu.memref_slice %arg18[%dma_wait3A_245, %dma_wait3A_246] : memref<10112x128xf32, #tpu.memory_space<vmem_shared>> -> memref<10112x128xf32, #tpu.memory_space<vmem_shared>>
        tpu.wait_indirect_dma semaphore(%run_scoped3A : memref<!tpu.dma_semaphore, #tpu.memory_space<semaphore_mem>>) src(%arg15 : memref<32x128xf32, #tpu.memory_space<vmem>>) dst(%dma_wait3A_247 : memref<10112x128xf32, #tpu.memory_space<vmem_shared>>)
        tpu.yield
      }) : () -> ()
      %add3A_167 = arith.constant 2 : i32
      %add3A_168 = arith.addi %add3A_163, %add3A_167 : i32
      %lt3A = arith.constant 316 : i32
      %lt3A_169 = arith.cmpi slt, %add3A_168, %lt3A : i32
      %convert_element_type3A_170 = arith.extui %lt3A_169 : i1 to i32
      %cond3A = arith.constant 0 : i32
      %cond3A_171 = arith.cmpi ne, %convert_element_type3A_170, %cond3A : i32
      scf.if %cond3A_171 {
        %dma_wait3A_242 = arith.constant 0 : i32
        %dma_wait3A_243 = tpu.memref_slice %arg3[%dma_wait3A_242] : memref<323584xi32, #tpu.memory_space<hbm>> -> memref<32xi32, #tpu.memory_space<hbm>>
        %dma_wait3A_244 = arith.constant 0 : i32
        %dma_wait3A_245 = tpu.memref_slice %arg3[%dma_wait3A_244] : memref<323584xi32, #tpu.memory_space<hbm>> -> memref<32xi32, #tpu.memory_space<hbm>>
        tpu.wait_dma2 semaphore(%arg23 : memref<!tpu.dma_semaphore, #tpu.memory_space<semaphore_mem>>) src(%dma_wait3A_245 : memref<32xi32, #tpu.memory_space<hbm>>) dst(%arg9 : memref<32xi32, #tpu.memory_space<vmem>>)
        %dma_wait3A_246 = arith.constant 0 : i32
        %dma_wait3A_247 = tpu.memref_slice %arg4[%dma_wait3A_246] : memref<323584xi32, #tpu.memory_space<hbm>> -> memref<32xi32, #tpu.memory_space<hbm>>
        %dma_wait3A_248 = arith.constant 0 : i32
        %dma_wait3A_249 = tpu.memref_slice %arg4[%dma_wait3A_248] : memref<323584xi32, #tpu.memory_space<hbm>> -> memref<32xi32, #tpu.memory_space<hbm>>
        tpu.wait_dma2 semaphore(%arg23 : memref<!tpu.dma_semaphore, #tpu.memory_space<semaphore_mem>>) src(%dma_wait3A_249 : memref<32xi32, #tpu.memory_space<hbm>>) dst(%arg13 : memref<32xi32, #tpu.memory_space<vmem>>)
        %get3A_250 = arith.constant 0 : index
        %get3A_251 = tpu.vector_load %arg9[%get3A_250] {strides = array<i32>} : memref<32xi32, #tpu.memory_space<vmem>>, vector<16xi32>,
        %get3A_252 = arith.constant 0 : index
        %get3A_253 = tpu.vector_load %arg13[%get3A_252] {strides = array<i32>} : memref<32xi32, #tpu.memory_space<vmem>>, vector<16xi32>,
        %ne3A_254 = arith.cmpi ne, %get3A_251, %get3A_253 : vector<16xi32>
        %unique3A_255, %unique3A_256 = tpu.scan_count mask(%ne3A_254 : vector<16xi1>) value(%get3A_253 : vector<16xi32>) : vector<16xi1>, vector<16xi32>
        %convert_element_type3A_257 = arith.sitofp %unique3A_256 : vector<16xi32> to vector<16xf32>
        tpu.vector_store_idx %arg17[%get3A_253], %convert_element_type3A_257 masked %unique3A_255 {add = true} : memref<10112xf32, #tpu.memory_space<vmem>>[vector<16xi32>], vector<16xf32>, vector<16xi1>
        %add3A_258 = arith.constant 10000 : i32
        %add3A_259 = vector.broadcast %add3A_258 : i32 to vector<16xi32>
        %add3A_260 = arith.addi %add3A_259, %iota3A : vector<16xi32>
        %select_n3A_261 = arith.select %ne3A_254, %get3A_253, %add3A_260 : vector<16xi1>, vector<16xi32>
        %swap3A_262 = arith.constant 0 : index
        %swap3A_263 = tpu.vector_load %arg13[%swap3A_262] {strides = array<i32>} : memref<32xi32, #tpu.memory_space<vmem>>, vector<16xi32>,
        tpu.vector_store %arg13[%swap3A_262], %select_n3A_261 {strides = array<i32>} : memref<32xi32, #tpu.memory_space<vmem>>, vector<16xi32>,
        %get3A_264 = arith.constant 16 : index
        %get3A_265 = tpu.vector_load %arg9[%get3A_264] {strides = array<i32>} : memref<32xi32, #tpu.memory_space<vmem>>, vector<16xi32>,
        %get3A_266 = arith.constant 16 : index
        %get3A_267 = tpu.vector_load %arg13[%get3A_266] {strides = array<i32>} : memref<32xi32, #tpu.memory_space<vmem>>, vector<16xi32>,
        %ne3A_268 = arith.cmpi ne, %get3A_265, %get3A_267 : vector<16xi32>
        %unique3A_269, %unique3A_270 = tpu.scan_count mask(%ne3A_268 : vector<16xi1>) value(%get3A_267 : vector<16xi32>) : vector<16xi1>, vector<16xi32>
        %convert_element_type3A_271 = arith.sitofp %unique3A_270 : vector<16xi32> to vector<16xf32>
        tpu.vector_store_idx %arg17[%get3A_267], %convert_element_type3A_271 masked %unique3A_269 {add = true} : memref<10112xf32, #tpu.memory_space<vmem>>[vector<16xi32>], vector<16xf32>, vector<16xi1>
        %add3A_272 = arith.constant 10000 : i32
        %add3A_273 = vector.broadcast %add3A_272 : i32 to vector<16xi32>
        %add3A_274 = arith.addi %add3A_273, %iota3A : vector<16xi32>
        %select_n3A_275 = arith.select %ne3A_268, %get3A_267, %add3A_274 : vector<16xi1>, vector<16xi32>
        %swap3A_276 = arith.constant 16 : index
        %swap3A_277 = tpu.vector_load %arg13[%swap3A_276] {strides = array<i32>} : memref<32xi32, #tpu.memory_space<vmem>>, vector<16xi32>,
        tpu.vector_store %arg13[%swap3A_276], %select_n3A_275 {strides = array<i32>} : memref<32xi32, #tpu.memory_space<vmem>>, vector<16xi32>,
        %dma_start3A_278 = arith.constant 0 : i32
        %dma_start3A_279 = arith.constant 0 : i32
        %dma_start3A_280 = tpu.memref_slice %arg2[%dma_start3A_278, %dma_start3A_279] : memref<10000x128xf32, #tpu.memory_space<hbm>> -> memref<10000x128xf32, #tpu.memory_space<hbm>>
        tpu.enqueue_indirect_dma source(%dma_start3A_280 : memref<10000x128xf32, #tpu.memory_space<hbm>>) target(%arg15 : memref<32x128xf32, #tpu.memory_space<vmem>>) offsets(%arg9 : memref<32xi32, #tpu.memory_space<vmem>>) semaphore(%arg19 : memref<!tpu.dma_semaphore, #tpu.memory_space<semaphore_mem>>)
      } else {
      }
      %add3A_172 = arith.constant 4 : i32
      %add3A_173 = arith.addi %add3A_163, %add3A_172 : i32
      %lt3A_174 = arith.constant 316 : i32
      %lt3A_175 = arith.cmpi slt, %add3A_173, %lt3A_174 : i32
      %convert_element_type3A_176 = arith.extui %lt3A_175 : i1 to i32
      %cond3A_177 = arith.constant 0 : i32
      %cond3A_178 = arith.cmpi ne, %convert_element_type3A_176, %cond3A_177 : i32
      scf.if %cond3A_178 {
        %add3A_242 = arith.constant 4 : i32
        %add3A_243 = arith.addi %add3A_163, %add3A_242 : i32
        %mul3A_244 = arith.constant 32 : i32
        %mul3A_245 = arith.muli %add3A_243, %mul3A_244 : i32
        %add3A_246 = arith.addi %mul3A_2, %mul3A_245 : i32
        %dma_start3A_247 = tpu.memref_slice %arg3[%add3A_246] : memref<323584xi32, #tpu.memory_space<hbm>> -> memref<32xi32, #tpu.memory_space<hbm>>
        %dma_start3A_248 = tpu.memref_slice %arg3[%add3A_246] : memref<323584xi32, #tpu.memory_space<hbm>> -> memref<32xi32, #tpu.memory_space<hbm>>
        tpu.enqueue_dma source(%dma_start3A_248 : memref<32xi32, #tpu.memory_space<hbm>>) target(%arg7 : memref<32xi32, #tpu.memory_space<vmem>>) target_semaphore(%arg21 : memref<!tpu.dma_semaphore, #tpu.memory_space<semaphore_mem>>)
        %dma_start3A_249 = tpu.memref_slice %arg4[%add3A_246] : memref<323584xi32, #tpu.memory_space<hbm>> -> memref<32xi32, #tpu.memory_space<hbm>>
        %dma_start3A_250 = tpu.memref_slice %arg4[%add3A_246] : memref<323584xi32, #tpu.memory_space<hbm>> -> memref<32xi32, #tpu.memory_space<hbm>>
        tpu.enqueue_dma source(%dma_start3A_250 : memref<32xi32, #tpu.memory_space<hbm>>) target(%arg11 : memref<32xi32, #tpu.memory_space<vmem>>) target_semaphore(%arg21 : memref<!tpu.dma_semaphore, #tpu.memory_space<semaphore_mem>>)
      } else {
      }
      %mul3A_179 = arith.constant 4 : i32
      %mul3A_180 = arith.muli %add3A_159, %mul3A_179 : i32
      %add3A_181 = arith.constant 1 : i32
      %add3A_182 = arith.addi %mul3A_180, %add3A_181 : i32
      %dma_wait3A_183 = arith.constant 0 : i32
      %dma_wait3A_184 = arith.constant 0 : i32
      %dma_wait3A_185 = tpu.memref_slice %arg2[%dma_wait3A_183, %dma_wait3A_184] : memref<10000x128xf32, #tpu.memory_space<hbm>> -> memref<10000x128xf32, #tpu.memory_space<hbm>>
      tpu.wait_indirect_dma semaphore(%arg20 : memref<!tpu.dma_semaphore, #tpu.memory_space<semaphore_mem>>) src(%dma_wait3A_185 : memref<10000x128xf32, #tpu.memory_space<hbm>>) dst(%arg16 : memref<32x128xf32, #tpu.memory_space<vmem>>)
      "tpu.region"() ({
        %run_scoped3A = tpu.sem_alloc : memref<!tpu.dma_semaphore, #tpu.memory_space<semaphore_mem>>
        %dma_start3A_242 = arith.constant 0 : i32
        %dma_start3A_243 = arith.constant 0 : i32
        %dma_start3A_244 = tpu.memref_slice %arg18[%dma_start3A_242, %dma_start3A_243] : memref<10112x128xf32, #tpu.memory_space<vmem_shared>> -> memref<10112x128xf32, #tpu.memory_space<vmem_shared>>
        tpu.enqueue_indirect_dma source(%arg16 : memref<32x128xf32, #tpu.memory_space<vmem>>) target(%dma_start3A_244 : memref<10112x128xf32, #tpu.memory_space<vmem_shared>>) offsets(%arg12 : memref<32xi32, #tpu.memory_space<vmem>>) semaphore(%run_scoped3A : memref<!tpu.dma_semaphore, #tpu.memory_space<semaphore_mem>>) {add = true}
        %dma_wait3A_245 = arith.constant 0 : i32
        %dma_wait3A_246 = arith.constant 0 : i32
        %dma_wait3A_247 = tpu.memref_slice %arg18[%dma_wait3A_245, %dma_wait3A_246] : memref<10112x128xf32, #tpu.memory_space<vmem_shared>> -> memref<10112x128xf32, #tpu.memory_space<vmem_shared>>
        tpu.wait_indirect_dma semaphore(%run_scoped3A : memref<!tpu.dma_semaphore, #tpu.memory_space<semaphore_mem>>) src(%arg16 : memref<32x128xf32, #tpu.memory_space<vmem>>) dst(%dma_wait3A_247 : memref<10112x128xf32, #tpu.memory_space<vmem_shared>>)
        tpu.yield
      }) : () -> ()
      %add3A_186 = arith.constant 2 : i32
      %add3A_187 = arith.addi %add3A_182, %add3A_186 : i32
      %lt3A_188 = arith.constant 316 : i32
      %lt3A_189 = arith.cmpi slt, %add3A_187, %lt3A_188 : i32
      %convert_element_type3A_190 = arith.extui %lt3A_189 : i1 to i32
      %cond3A_191 = arith.constant 0 : i32
      %cond3A_192 = arith.cmpi ne, %convert_element_type3A_190, %cond3A_191 : i32
      scf.if %cond3A_192 {
        %dma_wait3A_242 = arith.constant 0 : i32
        %dma_wait3A_243 = tpu.memref_slice %arg3[%dma_wait3A_242] : memref<323584xi32, #tpu.memory_space<hbm>> -> memref<32xi32, #tpu.memory_space<hbm>>
        %dma_wait3A_244 = arith.constant 0 : i32
        %dma_wait3A_245 = tpu.memref_slice %arg3[%dma_wait3A_244] : memref<323584xi32, #tpu.memory_space<hbm>> -> memref<32xi32, #tpu.memory_space<hbm>>
        tpu.wait_dma2 semaphore(%arg24 : memref<!tpu.dma_semaphore, #tpu.memory_space<semaphore_mem>>) src(%dma_wait3A_245 : memref<32xi32, #tpu.memory_space<hbm>>) dst(%arg10 : memref<32xi32, #tpu.memory_space<vmem>>)
        %dma_wait3A_246 = arith.constant 0 : i32
        %dma_wait3A_247 = tpu.memref_slice %arg4[%dma_wait3A_246] : memref<323584xi32, #tpu.memory_space<hbm>> -> memref<32xi32, #tpu.memory_space<hbm>>
        %dma_wait3A_248 = arith.constant 0 : i32
        %dma_wait3A_249 = tpu.memref_slice %arg4[%dma_wait3A_248] : memref<323584xi32, #tpu.memory_space<hbm>> -> memref<32xi32, #tpu.memory_space<hbm>>
        tpu.wait_dma2 semaphore(%arg24 : memref<!tpu.dma_semaphore, #tpu.memory_space<semaphore_mem>>) src(%dma_wait3A_249 : memref<32xi32, #tpu.memory_space<hbm>>) dst(%arg14 : memref<32xi32, #tpu.memory_space<vmem>>)
        %get3A_250 = arith.constant 0 : index
        %get3A_251 = tpu.vector_load %arg10[%get3A_250] {strides = array<i32>} : memref<32xi32, #tpu.memory_space<vmem>>, vector<16xi32>,
        %get3A_252 = arith.constant 0 : index
        %get3A_253 = tpu.vector_load %arg14[%get3A_252] {strides = array<i32>} : memref<32xi32, #tpu.memory_space<vmem>>, vector<16xi32>,
        %ne3A_254 = arith.cmpi ne, %get3A_251, %get3A_253 : vector<16xi32>
        %unique3A_255, %unique3A_256 = tpu.scan_count mask(%ne3A_254 : vector<16xi1>) value(%get3A_253 : vector<16xi32>) : vector<16xi1>, vector<16xi32>
        %convert_element_type3A_257 = arith.sitofp %unique3A_256 : vector<16xi32> to vector<16xf32>
        tpu.vector_store_idx %arg17[%get3A_253], %convert_element_type3A_257 masked %unique3A_255 {add = true} : memref<10112xf32, #tpu.memory_space<vmem>>[vector<16xi32>], vector<16xf32>, vector<16xi1>
        %add3A_258 = arith.constant 10000 : i32
        %add3A_259 = vector.broadcast %add3A_258 : i32 to vector<16xi32>
        %add3A_260 = arith.addi %add3A_259, %iota3A : vector<16xi32>
        %select_n3A_261 = arith.select %ne3A_254, %get3A_253, %add3A_260 : vector<16xi1>, vector<16xi32>
        %swap3A_262 = arith.constant 0 : index
        %swap3A_263 = tpu.vector_load %arg14[%swap3A_262] {strides = array<i32>} : memref<32xi32, #tpu.memory_space<vmem>>, vector<16xi32>,
        tpu.vector_store %arg14[%swap3A_262], %select_n3A_261 {strides = array<i32>} : memref<32xi32, #tpu.memory_space<vmem>>, vector<16xi32>,
        %get3A_264 = arith.constant 16 : index
        %get3A_265 = tpu.vector_load %arg10[%get3A_264] {strides = array<i32>} : memref<32xi32, #tpu.memory_space<vmem>>, vector<16xi32>,
        %get3A_266 = arith.constant 16 : index
        %get3A_267 = tpu.vector_load %arg14[%get3A_266] {strides = array<i32>} : memref<32xi32, #tpu.memory_space<vmem>>, vector<16xi32>,
        %ne3A_268 = arith.cmpi ne, %get3A_265, %get3A_267 : vector<16xi32>
        %unique3A_269, %unique3A_270 = tpu.scan_count mask(%ne3A_268 : vector<16xi1>) value(%get3A_267 : vector<16xi32>) : vector<16xi1>, vector<16xi32>
        %convert_element_type3A_271 = arith.sitofp %unique3A_270 : vector<16xi32> to vector<16xf32>
        tpu.vector_store_idx %arg17[%get3A_267], %convert_element_type3A_271 masked %unique3A_269 {add = true} : memref<10112xf32, #tpu.memory_space<vmem>>[vector<16xi32>], vector<16xf32>, vector<16xi1>
        %add3A_272 = arith.constant 10000 : i32
        %add3A_273 = vector.broadcast %add3A_272 : i32 to vector<16xi32>
        %add3A_274 = arith.addi %add3A_273, %iota3A : vector<16xi32>
        %select_n3A_275 = arith.select %ne3A_268, %get3A_267, %add3A_274 : vector<16xi1>, vector<16xi32>
        %swap3A_276 = arith.constant 16 : index
        %swap3A_277 = tpu.vector_load %arg14[%swap3A_276] {strides = array<i32>} : memref<32xi32, #tpu.memory_space<vmem>>, vector<16xi32>,
        tpu.vector_store %arg14[%swap3A_276], %select_n3A_275 {strides = array<i32>} : memref<32xi32, #tpu.memory_space<vmem>>, vector<16xi32>,
        %dma_start3A_278 = arith.constant 0 : i32
        %dma_start3A_279 = arith.constant 0 : i32
        %dma_start3A_280 = tpu.memref_slice %arg2[%dma_start3A_278, %dma_start3A_279] : memref<10000x128xf32, #tpu.memory_space<hbm>> -> memref<10000x128xf32, #tpu.memory_space<hbm>>
        tpu.enqueue_indirect_dma source(%dma_start3A_280 : memref<10000x128xf32, #tpu.memory_space<hbm>>) target(%arg16 : memref<32x128xf32, #tpu.memory_space<vmem>>) offsets(%arg10 : memref<32xi32, #tpu.memory_space<vmem>>) semaphore(%arg20 : memref<!tpu.dma_semaphore, #tpu.memory_space<semaphore_mem>>)
      } else {
      }
      %add3A_193 = arith.constant 4 : i32
      %add3A_194 = arith.addi %add3A_182, %add3A_193 : i32
      %lt3A_195 = arith.constant 316 : i32
      %lt3A_196 = arith.cmpi slt, %add3A_194, %lt3A_195 : i32
      %convert_element_type3A_197 = arith.extui %lt3A_196 : i1 to i32
      %cond3A_198 = arith.constant 0 : i32
      %cond3A_199 = arith.cmpi ne, %convert_element_type3A_197, %cond3A_198 : i32
      scf.if %cond3A_199 {
        %add3A_242 = arith.constant 4 : i32
        %add3A_243 = arith.addi %add3A_182, %add3A_242 : i32
        %mul3A_244 = arith.constant 32 : i32
        %mul3A_245 = arith.muli %add3A_243, %mul3A_244 : i32
        %add3A_246 = arith.addi %mul3A_2, %mul3A_245 : i32
        %dma_start3A_247 = tpu.memref_slice %arg3[%add3A_246] : memref<323584xi32, #tpu.memory_space<hbm>> -> memref<32xi32, #tpu.memory_space<hbm>>
        %dma_start3A_248 = tpu.memref_slice %arg3[%add3A_246] : memref<323584xi32, #tpu.memory_space<hbm>> -> memref<32xi32, #tpu.memory_space<hbm>>
        tpu.enqueue_dma source(%dma_start3A_248 : memref<32xi32, #tpu.memory_space<hbm>>) target(%arg8 : memref<32xi32, #tpu.memory_space<vmem>>) target_semaphore(%arg22 : memref<!tpu.dma_semaphore, #tpu.memory_space<semaphore_mem>>)
        %dma_start3A_249 = tpu.memref_slice %arg4[%add3A_246] : memref<323584xi32, #tpu.memory_space<hbm>> -> memref<32xi32, #tpu.memory_space<hbm>>
        %dma_start3A_250 = tpu.memref_slice %arg4[%add3A_246] : memref<323584xi32, #tpu.memory_space<hbm>> -> memref<32xi32, #tpu.memory_space<hbm>>
        tpu.enqueue_dma source(%dma_start3A_250 : memref<32xi32, #tpu.memory_space<hbm>>) target(%arg12 : memref<32xi32, #tpu.memory_space<vmem>>) target_semaphore(%arg22 : memref<!tpu.dma_semaphore, #tpu.memory_space<semaphore_mem>>)
      } else {
      }
      %mul3A_200 = arith.constant 4 : i32
      %mul3A_201 = arith.muli %add3A_159, %mul3A_200 : i32
      %add3A_202 = arith.constant 2 : i32
      %add3A_203 = arith.addi %mul3A_201, %add3A_202 : i32
      %dma_wait3A_204 = arith.constant 0 : i32
      %dma_wait3A_205 = arith.constant 0 : i32
      %dma_wait3A_206 = tpu.memref_slice %arg2[%dma_wait3A_204, %dma_wait3A_205] : memref<10000x128xf32, #tpu.memory_space<hbm>> -> memref<10000x128xf32, #tpu.memory_space<hbm>>
      tpu.wait_indirect_dma semaphore(%arg19 : memref<!tpu.dma_semaphore, #tpu.memory_space<semaphore_mem>>) src(%dma_wait3A_206 : memref<10000x128xf32, #tpu.memory_space<hbm>>) dst(%arg15 : memref<32x128xf32, #tpu.memory_space<vmem>>)
      "tpu.region"() ({
        %run_scoped3A = tpu.sem_alloc : memref<!tpu.dma_semaphore, #tpu.memory_space<semaphore_mem>>
        %dma_start3A_242 = arith.constant 0 : i32
        %dma_start3A_243 = arith.constant 0 : i32
        %dma_start3A_244 = tpu.memref_slice %arg18[%dma_start3A_242, %dma_start3A_243] : memref<10112x128xf32, #tpu.memory_space<vmem_shared>> -> memref<10112x128xf32, #tpu.memory_space<vmem_shared>>
        tpu.enqueue_indirect_dma source(%arg15 : memref<32x128xf32, #tpu.memory_space<vmem>>) target(%dma_start3A_244 : memref<10112x128xf32, #tpu.memory_space<vmem_shared>>) offsets(%arg13 : memref<32xi32, #tpu.memory_space<vmem>>) semaphore(%run_scoped3A : memref<!tpu.dma_semaphore, #tpu.memory_space<semaphore_mem>>) {add = true}
        %dma_wait3A_245 = arith.constant 0 : i32
        %dma_wait3A_246 = arith.constant 0 : i32
        %dma_wait3A_247 = tpu.memref_slice %arg18[%dma_wait3A_245, %dma_wait3A_246] : memref<10112x128xf32, #tpu.memory_space<vmem_shared>> -> memref<10112x128xf32, #tpu.memory_space<vmem_shared>>
        tpu.wait_indirect_dma semaphore(%run_scoped3A : memref<!tpu.dma_semaphore, #tpu.memory_space<semaphore_mem>>) src(%arg15 : memref<32x128xf32, #tpu.memory_space<vmem>>) dst(%dma_wait3A_247 : memref<10112x128xf32, #tpu.memory_space<vmem_shared>>)
        tpu.yield
      }) : () -> ()
      %add3A_207 = arith.constant 2 : i32
      %add3A_208 = arith.addi %add3A_203, %add3A_207 : i32
      %lt3A_209 = arith.constant 316 : i32
      %lt3A_210 = arith.cmpi slt, %add3A_208, %lt3A_209 : i32
      %convert_element_type3A_211 = arith.extui %lt3A_210 : i1 to i32
      %cond3A_212 = arith.constant 0 : i32
      %cond3A_213 = arith.cmpi ne, %convert_element_type3A_211, %cond3A_212 : i32
      scf.if %cond3A_213 {
        %dma_wait3A_242 = arith.constant 0 : i32
        %dma_wait3A_243 = tpu.memref_slice %arg3[%dma_wait3A_242] : memref<323584xi32, #tpu.memory_space<hbm>> -> memref<32xi32, #tpu.memory_space<hbm>>
        %dma_wait3A_244 = arith.constant 0 : i32
        %dma_wait3A_245 = tpu.memref_slice %arg3[%dma_wait3A_244] : memref<323584xi32, #tpu.memory_space<hbm>> -> memref<32xi32, #tpu.memory_space<hbm>>
        tpu.wait_dma2 semaphore(%arg21 : memref<!tpu.dma_semaphore, #tpu.memory_space<semaphore_mem>>) src(%dma_wait3A_245 : memref<32xi32, #tpu.memory_space<hbm>>) dst(%arg7 : memref<32xi32, #tpu.memory_space<vmem>>)
        %dma_wait3A_246 = arith.constant 0 : i32
        %dma_wait3A_247 = tpu.memref_slice %arg4[%dma_wait3A_246] : memref<323584xi32, #tpu.memory_space<hbm>> -> memref<32xi32, #tpu.memory_space<hbm>>
        %dma_wait3A_248 = arith.constant 0 : i32
        %dma_wait3A_249 = tpu.memref_slice %arg4[%dma_wait3A_248] : memref<323584xi32, #tpu.memory_space<hbm>> -> memref<32xi32, #tpu.memory_space<hbm>>
        tpu.wait_dma2 semaphore(%arg21 : memref<!tpu.dma_semaphore, #tpu.memory_space<semaphore_mem>>) src(%dma_wait3A_249 : memref<32xi32, #tpu.memory_space<hbm>>) dst(%arg11 : memref<32xi32, #tpu.memory_space<vmem>>)
        %get3A_250 = arith.constant 0 : index
        %get3A_251 = tpu.vector_load %arg7[%get3A_250] {strides = array<i32>} : memref<32xi32, #tpu.memory_space<vmem>>, vector<16xi32>,
        %get3A_252 = arith.constant 0 : index
        %get3A_253 = tpu.vector_load %arg11[%get3A_252] {strides = array<i32>} : memref<32xi32, #tpu.memory_space<vmem>>, vector<16xi32>,
        %ne3A_254 = arith.cmpi ne, %get3A_251, %get3A_253 : vector<16xi32>
        %unique3A_255, %unique3A_256 = tpu.scan_count mask(%ne3A_254 : vector<16xi1>) value(%get3A_253 : vector<16xi32>) : vector<16xi1>, vector<16xi32>
        %convert_element_type3A_257 = arith.sitofp %unique3A_256 : vector<16xi32> to vector<16xf32>
        tpu.vector_store_idx %arg17[%get3A_253], %convert_element_type3A_257 masked %unique3A_255 {add = true} : memref<10112xf32, #tpu.memory_space<vmem>>[vector<16xi32>], vector<16xf32>, vector<16xi1>
        %add3A_258 = arith.constant 10000 : i32
        %add3A_259 = vector.broadcast %add3A_258 : i32 to vector<16xi32>
        %add3A_260 = arith.addi %add3A_259, %iota3A : vector<16xi32>
        %select_n3A_261 = arith.select %ne3A_254, %get3A_253, %add3A_260 : vector<16xi1>, vector<16xi32>
        %swap3A_262 = arith.constant 0 : index
        %swap3A_263 = tpu.vector_load %arg11[%swap3A_262] {strides = array<i32>} : memref<32xi32, #tpu.memory_space<vmem>>, vector<16xi32>,
        tpu.vector_store %arg11[%swap3A_262], %select_n3A_261 {strides = array<i32>} : memref<32xi32, #tpu.memory_space<vmem>>, vector<16xi32>,
        %get3A_264 = arith.constant 16 : index
        %get3A_265 = tpu.vector_load %arg7[%get3A_264] {strides = array<i32>} : memref<32xi32, #tpu.memory_space<vmem>>, vector<16xi32>,
        %get3A_266 = arith.constant 16 : index
        %get3A_267 = tpu.vector_load %arg11[%get3A_266] {strides = array<i32>} : memref<32xi32, #tpu.memory_space<vmem>>, vector<16xi32>,
        %ne3A_268 = arith.cmpi ne, %get3A_265, %get3A_267 : vector<16xi32>
        %unique3A_269, %unique3A_270 = tpu.scan_count mask(%ne3A_268 : vector<16xi1>) value(%get3A_267 : vector<16xi32>) : vector<16xi1>, vector<16xi32>
        %convert_element_type3A_271 = arith.sitofp %unique3A_270 : vector<16xi32> to vector<16xf32>
        tpu.vector_store_idx %arg17[%get3A_267], %convert_element_type3A_271 masked %unique3A_269 {add = true} : memref<10112xf32, #tpu.memory_space<vmem>>[vector<16xi32>], vector<16xf32>, vector<16xi1>
        %add3A_272 = arith.constant 10000 : i32
        %add3A_273 = vector.broadcast %add3A_272 : i32 to vector<16xi32>
        %add3A_274 = arith.addi %add3A_273, %iota3A : vector<16xi32>
        %select_n3A_275 = arith.select %ne3A_268, %get3A_267, %add3A_274 : vector<16xi1>, vector<16xi32>
        %swap3A_276 = arith.constant 16 : index
        %swap3A_277 = tpu.vector_load %arg11[%swap3A_276] {strides = array<i32>} : memref<32xi32, #tpu.memory_space<vmem>>, vector<16xi32>,
        tpu.vector_store %arg11[%swap3A_276], %select_n3A_275 {strides = array<i32>} : memref<32xi32, #tpu.memory_space<vmem>>, vector<16xi32>,
        %dma_start3A_278 = arith.constant 0 : i32
        %dma_start3A_279 = arith.constant 0 : i32
        %dma_start3A_280 = tpu.memref_slice %arg2[%dma_start3A_278, %dma_start3A_279] : memref<10000x128xf32, #tpu.memory_space<hbm>> -> memref<10000x128xf32, #tpu.memory_space<hbm>>
        tpu.enqueue_indirect_dma source(%dma_start3A_280 : memref<10000x128xf32, #tpu.memory_space<hbm>>) target(%arg15 : memref<32x128xf32, #tpu.memory_space<vmem>>) offsets(%arg7 : memref<32xi32, #tpu.memory_space<vmem>>) semaphore(%arg19 : memref<!tpu.dma_semaphore, #tpu.memory_space<semaphore_mem>>)
      } else {
      }
      %add3A_214 = arith.constant 4 : i32
      %add3A_215 = arith.addi %add3A_203, %add3A_214 : i32
      %lt3A_216 = arith.constant 316 : i32
      %lt3A_217 = arith.cmpi slt, %add3A_215, %lt3A_216 : i32
      %convert_element_type3A_218 = arith.extui %lt3A_217 : i1 to i32
      %cond3A_219 = arith.constant 0 : i32
      %cond3A_220 = arith.cmpi ne, %convert_element_type3A_218, %cond3A_219 : i32
      scf.if %cond3A_220 {
        %add3A_242 = arith.constant 4 : i32
        %add3A_243 = arith.addi %add3A_203, %add3A_242 : i32
        %mul3A_244 = arith.constant 32 : i32
        %mul3A_245 = arith.muli %add3A_243, %mul3A_244 : i32
        %add3A_246 = arith.addi %mul3A_2, %mul3A_245 : i32
        %dma_start3A_247 = tpu.memref_slice %arg3[%add3A_246] : memref<323584xi32, #tpu.memory_space<hbm>> -> memref<32xi32, #tpu.memory_space<hbm>>
        %dma_start3A_248 = tpu.memref_slice %arg3[%add3A_246] : memref<323584xi32, #tpu.memory_space<hbm>> -> memref<32xi32, #tpu.memory_space<hbm>>
        tpu.enqueue_dma source(%dma_start3A_248 : memref<32xi32, #tpu.memory_space<hbm>>) target(%arg9 : memref<32xi32, #tpu.memory_space<vmem>>) target_semaphore(%arg23 : memref<!tpu.dma_semaphore, #tpu.memory_space<semaphore_mem>>)
        %dma_start3A_249 = tpu.memref_slice %arg4[%add3A_246] : memref<323584xi32, #tpu.memory_space<hbm>> -> memref<32xi32, #tpu.memory_space<hbm>>
        %dma_start3A_250 = tpu.memref_slice %arg4[%add3A_246] : memref<323584xi32, #tpu.memory_space<hbm>> -> memref<32xi32, #tpu.memory_space<hbm>>
        tpu.enqueue_dma source(%dma_start3A_250 : memref<32xi32, #tpu.memory_space<hbm>>) target(%arg13 : memref<32xi32, #tpu.memory_space<vmem>>) target_semaphore(%arg23 : memref<!tpu.dma_semaphore, #tpu.memory_space<semaphore_mem>>)
      } else {
      }
      %mul3A_221 = arith.constant 4 : i32
      %mul3A_222 = arith.muli %add3A_159, %mul3A_221 : i32
      %add3A_223 = arith.constant 3 : i32
      %add3A_224 = arith.addi %mul3A_222, %add3A_223 : i32
      %dma_wait3A_225 = arith.constant 0 : i32
      %dma_wait3A_226 = arith.constant 0 : i32
      %dma_wait3A_227 = tpu.memref_slice %arg2[%dma_wait3A_225, %dma_wait3A_226] : memref<10000x128xf32, #tpu.memory_space<hbm>> -> memref<10000x128xf32, #tpu.memory_space<hbm>>
      tpu.wait_indirect_dma semaphore(%arg20 : memref<!tpu.dma_semaphore, #tpu.memory_space<semaphore_mem>>) src(%dma_wait3A_227 : memref<10000x128xf32, #tpu.memory_space<hbm>>) dst(%arg16 : memref<32x128xf32, #tpu.memory_space<vmem>>)
      "tpu.region"() ({
        %run_scoped3A = tpu.sem_alloc : memref<!tpu.dma_semaphore, #tpu.memory_space<semaphore_mem>>
        %dma_start3A_242 = arith.constant 0 : i32
        %dma_start3A_243 = arith.constant 0 : i32
        %dma_start3A_244 = tpu.memref_slice %arg18[%dma_start3A_242, %dma_start3A_243] : memref<10112x128xf32, #tpu.memory_space<vmem_shared>> -> memref<10112x128xf32, #tpu.memory_space<vmem_shared>>
        tpu.enqueue_indirect_dma source(%arg16 : memref<32x128xf32, #tpu.memory_space<vmem>>) target(%dma_start3A_244 : memref<10112x128xf32, #tpu.memory_space<vmem_shared>>) offsets(%arg14 : memref<32xi32, #tpu.memory_space<vmem>>) semaphore(%run_scoped3A : memref<!tpu.dma_semaphore, #tpu.memory_space<semaphore_mem>>) {add = true}
        %dma_wait3A_245 = arith.constant 0 : i32
        %dma_wait3A_246 = arith.constant 0 : i32
        %dma_wait3A_247 = tpu.memref_slice %arg18[%dma_wait3A_245, %dma_wait3A_246] : memref<10112x128xf32, #tpu.memory_space<vmem_shared>> -> memref<10112x128xf32, #tpu.memory_space<vmem_shared>>
        tpu.wait_indirect_dma semaphore(%run_scoped3A : memref<!tpu.dma_semaphore, #tpu.memory_space<semaphore_mem>>) src(%arg16 : memref<32x128xf32, #tpu.memory_space<vmem>>) dst(%dma_wait3A_247 : memref<10112x128xf32, #tpu.memory_space<vmem_shared>>)
        tpu.yield
      }) : () -> ()
      %add3A_228 = arith.constant 2 : i32
      %add3A_229 = arith.addi %add3A_224, %add3A_228 : i32
      %lt3A_230 = arith.constant 316 : i32
      %lt3A_231 = arith.cmpi slt, %add3A_229, %lt3A_230 : i32
      %convert_element_type3A_232 = arith.extui %lt3A_231 : i1 to i32
      %cond3A_233 = arith.constant 0 : i32
      %cond3A_234 = arith.cmpi ne, %convert_element_type3A_232, %cond3A_233 : i32
      scf.if %cond3A_234 {
        %dma_wait3A_242 = arith.constant 0 : i32
        %dma_wait3A_243 = tpu.memref_slice %arg3[%dma_wait3A_242] : memref<323584xi32, #tpu.memory_space<hbm>> -> memref<32xi32, #tpu.memory_space<hbm>>
        %dma_wait3A_244 = arith.constant 0 : i32
        %dma_wait3A_245 = tpu.memref_slice %arg3[%dma_wait3A_244] : memref<323584xi32, #tpu.memory_space<hbm>> -> memref<32xi32, #tpu.memory_space<hbm>>
        tpu.wait_dma2 semaphore(%arg22 : memref<!tpu.dma_semaphore, #tpu.memory_space<semaphore_mem>>) src(%dma_wait3A_245 : memref<32xi32, #tpu.memory_space<hbm>>) dst(%arg8 : memref<32xi32, #tpu.memory_space<vmem>>)
        %dma_wait3A_246 = arith.constant 0 : i32
        %dma_wait3A_247 = tpu.memref_slice %arg4[%dma_wait3A_246] : memref<323584xi32, #tpu.memory_space<hbm>> -> memref<32xi32, #tpu.memory_space<hbm>>
        %dma_wait3A_248 = arith.constant 0 : i32
        %dma_wait3A_249 = tpu.memref_slice %arg4[%dma_wait3A_248] : memref<323584xi32, #tpu.memory_space<hbm>> -> memref<32xi32, #tpu.memory_space<hbm>>
        tpu.wait_dma2 semaphore(%arg22 : memref<!tpu.dma_semaphore, #tpu.memory_space<semaphore_mem>>) src(%dma_wait3A_249 : memref<32xi32, #tpu.memory_space<hbm>>) dst(%arg12 : memref<32xi32, #tpu.memory_space<vmem>>)
        %get3A_250 = arith.constant 0 : index
        %get3A_251 = tpu.vector_load %arg8[%get3A_250] {strides = array<i32>} : memref<32xi32, #tpu.memory_space<vmem>>, vector<16xi32>,
        %get3A_252 = arith.constant 0 : index
        %get3A_253 = tpu.vector_load %arg12[%get3A_252] {strides = array<i32>} : memref<32xi32, #tpu.memory_space<vmem>>, vector<16xi32>,
        %ne3A_254 = arith.cmpi ne, %get3A_251, %get3A_253 : vector<16xi32>
        %unique3A_255, %unique3A_256 = tpu.scan_count mask(%ne3A_254 : vector<16xi1>) value(%get3A_253 : vector<16xi32>) : vector<16xi1>, vector<16xi32>
        %convert_element_type3A_257 = arith.sitofp %unique3A_256 : vector<16xi32> to vector<16xf32>
        tpu.vector_store_idx %arg17[%get3A_253], %convert_element_type3A_257 masked %unique3A_255 {add = true} : memref<10112xf32, #tpu.memory_space<vmem>>[vector<16xi32>], vector<16xf32>, vector<16xi1>
        %add3A_258 = arith.constant 10000 : i32
        %add3A_259 = vector.broadcast %add3A_258 : i32 to vector<16xi32>
        %add3A_260 = arith.addi %add3A_259, %iota3A : vector<16xi32>
        %select_n3A_261 = arith.select %ne3A_254, %get3A_253, %add3A_260 : vector<16xi1>, vector<16xi32>
        %swap3A_262 = arith.constant 0 : index
        %swap3A_263 = tpu.vector_load %arg12[%swap3A_262] {strides = array<i32>} : memref<32xi32, #tpu.memory_space<vmem>>, vector<16xi32>,
        tpu.vector_store %arg12[%swap3A_262], %select_n3A_261 {strides = array<i32>} : memref<32xi32, #tpu.memory_space<vmem>>, vector<16xi32>,
        %get3A_264 = arith.constant 16 : index
        %get3A_265 = tpu.vector_load %arg8[%get3A_264] {strides = array<i32>} : memref<32xi32, #tpu.memory_space<vmem>>, vector<16xi32>,
        %get3A_266 = arith.constant 16 : index
        %get3A_267 = tpu.vector_load %arg12[%get3A_266] {strides = array<i32>} : memref<32xi32, #tpu.memory_space<vmem>>, vector<16xi32>,
        %ne3A_268 = arith.cmpi ne, %get3A_265, %get3A_267 : vector<16xi32>
        %unique3A_269, %unique3A_270 = tpu.scan_count mask(%ne3A_268 : vector<16xi1>) value(%get3A_267 : vector<16xi32>) : vector<16xi1>, vector<16xi32>
        %convert_element_type3A_271 = arith.sitofp %unique3A_270 : vector<16xi32> to vector<16xf32>
        tpu.vector_store_idx %arg17[%get3A_267], %convert_element_type3A_271 masked %unique3A_269 {add = true} : memref<10112xf32, #tpu.memory_space<vmem>>[vector<16xi32>], vector<16xf32>, vector<16xi1>
        %add3A_272 = arith.constant 10000 : i32
        %add3A_273 = vector.broadcast %add3A_272 : i32 to vector<16xi32>
        %add3A_274 = arith.addi %add3A_273, %iota3A : vector<16xi32>
        %select_n3A_275 = arith.select %ne3A_268, %get3A_267, %add3A_274 : vector<16xi1>, vector<16xi32>
        %swap3A_276 = arith.constant 16 : index
        %swap3A_277 = tpu.vector_load %arg12[%swap3A_276] {strides = array<i32>} : memref<32xi32, #tpu.memory_space<vmem>>, vector<16xi32>,
        tpu.vector_store %arg12[%swap3A_276], %select_n3A_275 {strides = array<i32>} : memref<32xi32, #tpu.memory_space<vmem>>, vector<16xi32>,
        %dma_start3A_278 = arith.constant 0 : i32
        %dma_start3A_279 = arith.constant 0 : i32
        %dma_start3A_280 = tpu.memref_slice %arg2[%dma_start3A_278, %dma_start3A_279] : memref<10000x128xf32, #tpu.memory_space<hbm>> -> memref<10000x128xf32, #tpu.memory_space<hbm>>
        tpu.enqueue_indirect_dma source(%dma_start3A_280 : memref<10000x128xf32, #tpu.memory_space<hbm>>) target(%arg16 : memref<32x128xf32, #tpu.memory_space<vmem>>) offsets(%arg8 : memref<32xi32, #tpu.memory_space<vmem>>) semaphore(%arg20 : memref<!tpu.dma_semaphore, #tpu.memory_space<semaphore_mem>>)
      } else {
      }
      %add3A_235 = arith.constant 4 : i32
      %add3A_236 = arith.addi %add3A_224, %add3A_235 : i32
      %lt3A_237 = arith.constant 316 : i32
      %lt3A_238 = arith.cmpi slt, %add3A_236, %lt3A_237 : i32
      %convert_element_type3A_239 = arith.extui %lt3A_238 : i1 to i32
      %cond3A_240 = arith.constant 0 : i32
      %cond3A_241 = arith.cmpi ne, %convert_element_type3A_239, %cond3A_240 : i32
      scf.if %cond3A_241 {
        %add3A_242 = arith.constant 4 : i32
        %add3A_243 = arith.addi %add3A_224, %add3A_242 : i32
        %mul3A_244 = arith.constant 32 : i32
        %mul3A_245 = arith.muli %add3A_243, %mul3A_244 : i32
        %add3A_246 = arith.addi %mul3A_2, %mul3A_245 : i32
        %dma_start3A_247 = tpu.memref_slice %arg3[%add3A_246] : memref<323584xi32, #tpu.memory_space<hbm>> -> memref<32xi32, #tpu.memory_space<hbm>>
        %dma_start3A_248 = tpu.memref_slice %arg3[%add3A_246] : memref<323584xi32, #tpu.memory_space<hbm>> -> memref<32xi32, #tpu.memory_space<hbm>>
        tpu.enqueue_dma source(%dma_start3A_248 : memref<32xi32, #tpu.memory_space<hbm>>) target(%arg10 : memref<32xi32, #tpu.memory_space<vmem>>) target_semaphore(%arg24 : memref<!tpu.dma_semaphore, #tpu.memory_space<semaphore_mem>>)
        %dma_start3A_249 = tpu.memref_slice %arg4[%add3A_246] : memref<323584xi32, #tpu.memory_space<hbm>> -> memref<32xi32, #tpu.memory_space<hbm>>
        %dma_start3A_250 = tpu.memref_slice %arg4[%add3A_246] : memref<323584xi32, #tpu.memory_space<hbm>> -> memref<32xi32, #tpu.memory_space<hbm>>
        tpu.enqueue_dma source(%dma_start3A_250 : memref<32xi32, #tpu.memory_space<hbm>>) target(%arg14 : memref<32xi32, #tpu.memory_space<vmem>>) target_semaphore(%arg24 : memref<!tpu.dma_semaphore, #tpu.memory_space<semaphore_mem>>)
      } else {
      }
    }
    %scan3A_153 = arith.constant 79 : i32
    %barrier3A_154 = arith.constant 0 : index
    tpu.barrier barrier_id(%barrier3A_154)
    "tpu.region"() ({
      %run_scoped3A = tpu.sem_alloc : memref<!tpu.dma_semaphore, #tpu.memory_space<semaphore_mem>>
      %dma_start3A_155 = arith.constant 0 : i32
      %dma_start3A_156 = tpu.memref_slice %arg5[%arg0, %mul3A_36, %dma_start3A_155] : memref<2x10112x128xf32, #tpu.memory_space<hbm>> -> memref<1x632x128xf32, #tpu.memory_space<hbm>>
      %dma_start3A_157 = tpu.memref_squeeze %dma_start3A_156 : memref<1x632x128xf32, #tpu.memory_space<hbm>> -> memref<632x128xf32, #tpu.memory_space<hbm>>
      %dma_start3A_158 = arith.constant 0 : i32
      %dma_start3A_159 = tpu.memref_slice %arg18[%mul3A_36, %dma_start3A_158] : memref<10112x128xf32, #tpu.memory_space<vmem_shared>> -> memref<632x128xf32, #tpu.memory_space<vmem_shared>>
      tpu.enqueue_dma source(%dma_start3A_159 : memref<632x128xf32, #tpu.memory_space<vmem_shared>>) target(%dma_start3A_157 : memref<632x128xf32, #tpu.memory_space<hbm>>) target_semaphore(%run_scoped3A : memref<!tpu.dma_semaphore, #tpu.memory_space<semaphore_mem>>)
      %dma_wait3A_160 = arith.constant 0 : i32
      %dma_wait3A_161 = tpu.memref_slice %arg5[%arg0, %mul3A_36, %dma_wait3A_160] : memref<2x10112x128xf32, #tpu.memory_space<hbm>> -> memref<1x632x128xf32, #tpu.memory_space<hbm>>
      %dma_wait3A_162 = tpu.memref_squeeze %dma_wait3A_161 : memref<1x632x128xf32, #tpu.memory_space<hbm>> -> memref<632x128xf32, #tpu.memory_space<hbm>>
      %dma_wait3A_163 = arith.constant 0 : i32
      %dma_wait3A_164 = tpu.memref_slice %arg18[%mul3A_36, %dma_wait3A_163] : memref<10112x128xf32, #tpu.memory_space<vmem_shared>> -> memref<632x128xf32, #tpu.memory_space<vmem_shared>>
      tpu.wait_dma2 semaphore(%run_scoped3A : memref<!tpu.dma_semaphore, #tpu.memory_space<semaphore_mem>>) src(%dma_wait3A_164 : memref<632x128xf32, #tpu.memory_space<vmem_shared>>) dst(%dma_wait3A_162 : memref<632x128xf32, #tpu.memory_space<hbm>>)
      tpu.yield
    }) : () -> ()
    "tpu.region"() ({
      %run_scoped3A = tpu.sem_alloc : memref<!tpu.dma_semaphore, #tpu.memory_space<semaphore_mem>>
      %dma_start3A_155 = arith.constant 0 : i32
      %dma_start3A_156 = tpu.memref_slice %arg6[%add3A, %dma_start3A_155] : memref<32x10112xf32, #tpu.memory_space<hbm>> -> memref<1x10112xf32, #tpu.memory_space<hbm>>
      %dma_start3A_157 = tpu.memref_squeeze %dma_start3A_156 : memref<1x10112xf32, #tpu.memory_space<hbm>> -> memref<10112xf32, #tpu.memory_space<hbm>>
      %dma_start3A_158 = arith.constant 0 : i32
      %dma_start3A_159 = tpu.memref_slice %arg6[%add3A, %dma_start3A_158] : memref<32x10112xf32, #tpu.memory_space<hbm>> -> memref<1x10112xf32, #tpu.memory_space<hbm>>
      %dma_start3A_160 = tpu.memref_squeeze %dma_start3A_159 : memref<1x10112xf32, #tpu.memory_space<hbm>> -> memref<10112xf32, #tpu.memory_space<hbm>>
      tpu.enqueue_dma source(%arg17 : memref<10112xf32, #tpu.memory_space<vmem>>) target(%dma_start3A_160 : memref<10112xf32, #tpu.memory_space<hbm>>) target_semaphore(%run_scoped3A : memref<!tpu.dma_semaphore, #tpu.memory_space<semaphore_mem>>)
      %dma_wait3A_161 = arith.constant 0 : i32
      %dma_wait3A_162 = tpu.memref_slice %arg6[%add3A, %dma_wait3A_161] : memref<32x10112xf32, #tpu.memory_space<hbm>> -> memref<1x10112xf32, #tpu.memory_space<hbm>>
      %dma_wait3A_163 = tpu.memref_squeeze %dma_wait3A_162 : memref<1x10112xf32, #tpu.memory_space<hbm>> -> memref<10112xf32, #tpu.memory_space<hbm>>
      %dma_wait3A_164 = arith.constant 0 : i32
      %dma_wait3A_165 = tpu.memref_slice %arg6[%add3A, %dma_wait3A_164] : memref<32x10112xf32, #tpu.memory_space<hbm>> -> memref<1x10112xf32, #tpu.memory_space<hbm>>
      %dma_wait3A_166 = tpu.memref_squeeze %dma_wait3A_165 : memref<1x10112xf32, #tpu.memory_space<hbm>> -> memref<10112xf32, #tpu.memory_space<hbm>>
      tpu.wait_dma2 semaphore(%run_scoped3A : memref<!tpu.dma_semaphore, #tpu.memory_space<semaphore_mem>>) src(%arg17 : memref<10112xf32, #tpu.memory_space<vmem>>) dst(%dma_wait3A_166 : memref<10112xf32, #tpu.memory_space<hbm>>)
      tpu.yield
    }) : () -> ()
    return
  }
}

module attributes {stable_mosaic.version = 14 : i64} {
  func.func @body(%arg0: memref<10000x128xf32, #tpu.memory_space<vmem>>, %arg1: memref<2x10112x128xf32, #tpu.memory_space<vmem>>, %arg2: memref<32x10112xf32, #tpu.memory_space<vmem>>, %arg3: memref<32x1xf32, #tpu.memory_space<vmem>>, %arg4: memref<128x128xf32, #tpu.memory_space<vmem>>, %arg5: memref<128x128xf32, #tpu.memory_space<vmem>>, %arg6: memref<1x128xf32, #tpu.memory_space<vmem>>, %arg7: memref<1x128xf32, #tpu.memory_space<vmem>>, %arg8: memref<1x128xf32, #tpu.memory_space<vmem>>, %arg9: memref<10000x128xf32, #tpu.memory_space<vmem>>) attributes {dimension_semantics = [], scalar_prefetch = 0 : i64, scratch_operands = 0 : i64, tpu.core_type = #tpu.core_type<tc>} {
    %get3A = arith.constant 0 : index
    %get3A_0 = arith.constant 0 : index
    %get3A_1 = vector.load %arg0[%get3A, %get3A_0] : memref<10000x128xf32, #tpu.memory_space<vmem>>, vector<10000x128xf32>
    %get3A_2 = arith.constant 0 : index
    %get3A_3 = arith.constant 0 : index
    %get3A_4 = arith.constant 0 : index
    %get3A_5 = vector.load %arg1[%get3A_2, %get3A_3, %get3A_4] : memref<2x10112x128xf32, #tpu.memory_space<vmem>>, vector<1x10000x128xf32>
    %get3A_6 = vector.shape_cast %get3A_5 : vector<1x10000x128xf32> to vector<10000x128xf32>
    %get3A_7 = arith.constant 1 : index
    %get3A_8 = arith.constant 0 : index
    %get3A_9 = arith.constant 0 : index
    %get3A_10 = vector.load %arg1[%get3A_7, %get3A_8, %get3A_9] : memref<2x10112x128xf32, #tpu.memory_space<vmem>>, vector<1x10000x128xf32>
    %get3A_11 = vector.shape_cast %get3A_10 : vector<1x10000x128xf32> to vector<10000x128xf32>
    %add3A = arith.addf %get3A_6, %get3A_11 : vector<10000x128xf32>
    %add3A_12 = arith.addf %add3A, %get3A_1 : vector<10000x128xf32>
    %get3A_13 = arith.constant 0 : index
    %get3A_14 = arith.constant 0 : index
    %get3A_15 = vector.load %arg2[%get3A_13, %get3A_14] : memref<32x10112xf32, #tpu.memory_space<vmem>>, vector<32x10112xf32>
    %get3A_16 = arith.constant 0 : index
    %get3A_17 = arith.constant 0 : index
    %get3A_18 = vector.load %arg3[%get3A_16, %get3A_17] : memref<32x1xf32, #tpu.memory_space<vmem>>, vector<32x1xf32>
    %dot_general3A = arith.constant dense<0.000000e+00> : vector<10112x1xf32>
    %dot_general3A_19 = tpu.matmul %get3A_15, %get3A_18, %dot_general3A {dimension_numbers = #tpu.dot_dimension_numbers<[0], [0], [1], [1], [0, 1, 1, 1], [], []>, transpose_lhs_hint = false} : vector<32x10112xf32>, vector<32x1xf32>, vector<10112x1xf32> -> vector<10112x1xf32>
    %slice3A = vector.extract_strided_slice %dot_general3A_19 {offsets = [0, 0], sizes = [10000, 1], strides = [1, 1]} : vector<10112x1xf32> to vector<10000x1xf32>
    %add3A_20 = arith.constant 1.000000e+00 : f32
    %add3A_21 = vector.broadcast %add3A_20 : f32 to vector<10000x1xf32>
    %add3A_22 = arith.addf %slice3A, %add3A_21 : vector<10000x1xf32>
    %max3A = arith.constant 1.000000e+00 : f32
    %max3A_23 = vector.broadcast %max3A : f32 to vector<10000x1xf32>
    %max3A_24 = arith.maximumf %add3A_22, %max3A_23 : vector<10000x1xf32>
    %div3A = vector.broadcast %max3A_24 : vector<10000x1xf32> to vector<10000x128xf32>
    %div3A_25 = arith.divf %add3A_12, %div3A : vector<10000x128xf32>
    %get3A_26 = arith.constant 0 : index
    %get3A_27 = arith.constant 0 : index
    %get3A_28 = vector.load %arg4[%get3A_26, %get3A_27] : memref<128x128xf32, #tpu.memory_space<vmem>>, vector<128x128xf32>
    %dot_general3A_29 = arith.constant dense<0.000000e+00> : vector<10000x128xf32>
    %dot_general3A_30 = tpu.matmul %get3A_1, %get3A_28, %dot_general3A_29 {dimension_numbers = #tpu.dot_dimension_numbers<[1], [0], [0], [1], [0, 0, 1, 1], [], []>, transpose_lhs_hint = false} : vector<10000x128xf32>, vector<128x128xf32>, vector<10000x128xf32> -> vector<10000x128xf32>
    %get3A_31 = arith.constant 0 : index
    %get3A_32 = arith.constant 0 : index
    %get3A_33 = vector.load %arg5[%get3A_31, %get3A_32] : memref<128x128xf32, #tpu.memory_space<vmem>>, vector<128x128xf32>
    %dot_general3A_34 = arith.constant dense<0.000000e+00> : vector<10000x128xf32>
    %dot_general3A_35 = tpu.matmul %div3A_25, %get3A_33, %dot_general3A_34 {dimension_numbers = #tpu.dot_dimension_numbers<[1], [0], [0], [1], [0, 0, 1, 1], [], []>, transpose_lhs_hint = false} : vector<10000x128xf32>, vector<128x128xf32>, vector<10000x128xf32> -> vector<10000x128xf32>
    %add3A_36 = arith.addf %dot_general3A_30, %dot_general3A_35 : vector<10000x128xf32>
    %get3A_37 = arith.constant 0 : index
    %get3A_38 = arith.constant 0 : index
    %get3A_39 = vector.load %arg6[%get3A_37, %get3A_38] : memref<1x128xf32, #tpu.memory_space<vmem>>, vector<1x128xf32>
    %add3A_40 = vector.broadcast %get3A_39 : vector<1x128xf32> to vector<10000x128xf32>
    %add3A_41 = arith.addf %add3A_36, %add3A_40 : vector<10000x128xf32>
    %mul3A = arith.mulf %add3A_41, %add3A_41 : vector<10000x128xf32>
    %reduce_sum3A = arith.constant dense<0.000000e+00> : vector<10000xf32>
    %reduce_sum3A_42 = vector.multi_reduction <add>, %mul3A, %reduce_sum3A [1] : vector<10000x128xf32> to vector<10000xf32>
    %broadcast_in_dim3A = vector.shape_cast %reduce_sum3A_42 : vector<10000xf32> to vector<10000x1xf32>
    %sqrt3A = math.sqrt %broadcast_in_dim3A : vector<10000x1xf32>
    %max3A_43 = arith.constant 9.99999996E-13 : f32
    %max3A_44 = vector.broadcast %max3A_43 : f32 to vector<10000x1xf32>
    %max3A_45 = arith.maximumf %sqrt3A, %max3A_44 : vector<10000x1xf32>
    %div3A_46 = vector.broadcast %max3A_45 : vector<10000x1xf32> to vector<10000x128xf32>
    %div3A_47 = arith.divf %add3A_41, %div3A_46 : vector<10000x128xf32>
    %reduce_sum3A_48 = arith.constant dense<0.000000e+00> : vector<128xf32>
    %reduce_sum3A_49 = vector.multi_reduction <add>, %div3A_47, %reduce_sum3A_48 [0] : vector<10000x128xf32> to vector<128xf32>
    %broadcast_in_dim3A_50 = vector.shape_cast %reduce_sum3A_49 : vector<128xf32> to vector<1x128xf32>
    %div3A_51 = arith.constant 1.000000e+04 : f32
    %div3A_52 = vector.broadcast %div3A_51 : f32 to vector<1x128xf32>
    %div3A_53 = arith.divf %broadcast_in_dim3A_50, %div3A_52 : vector<1x128xf32>
    %sub3A = vector.broadcast %div3A_53 : vector<1x128xf32> to vector<10000x128xf32>
    %sub3A_54 = arith.subf %div3A_47, %sub3A : vector<10000x128xf32>
    %integer_pow3A = arith.mulf %sub3A_54, %sub3A_54 : vector<10000x128xf32>
    %reduce_sum3A_55 = arith.constant dense<0.000000e+00> : vector<128xf32>
    %reduce_sum3A_56 = vector.multi_reduction <add>, %integer_pow3A, %reduce_sum3A_55 [0] : vector<10000x128xf32> to vector<128xf32>
    %broadcast_in_dim3A_57 = vector.shape_cast %reduce_sum3A_56 : vector<128xf32> to vector<1x128xf32>
    %div3A_58 = arith.constant 1.000000e+04 : f32
    %div3A_59 = vector.broadcast %div3A_58 : f32 to vector<1x128xf32>
    %div3A_60 = arith.divf %broadcast_in_dim3A_57, %div3A_59 : vector<1x128xf32>
    %sub3A_61 = vector.broadcast %div3A_53 : vector<1x128xf32> to vector<10000x128xf32>
    %sub3A_62 = arith.subf %div3A_47, %sub3A_61 : vector<10000x128xf32>
    %add3A_63 = arith.constant 9.99999974E-6 : f32
    %add3A_64 = vector.broadcast %add3A_63 : f32 to vector<1x128xf32>
    %add3A_65 = arith.addf %div3A_60, %add3A_64 : vector<1x128xf32>
    %rsqrt3A = math.rsqrt %add3A_65 : vector<1x128xf32>
    %mul3A_66 = vector.broadcast %rsqrt3A : vector<1x128xf32> to vector<10000x128xf32>
    %mul3A_67 = arith.mulf %sub3A_62, %mul3A_66 : vector<10000x128xf32>
    %get3A_68 = arith.constant 0 : index
    %get3A_69 = arith.constant 0 : index
    %get3A_70 = vector.load %arg7[%get3A_68, %get3A_69] : memref<1x128xf32, #tpu.memory_space<vmem>>, vector<1x128xf32>
    %mul3A_71 = vector.broadcast %get3A_70 : vector<1x128xf32> to vector<10000x128xf32>
    %mul3A_72 = arith.mulf %mul3A_67, %mul3A_71 : vector<10000x128xf32>
    %get3A_73 = arith.constant 0 : index
    %get3A_74 = arith.constant 0 : index
    %get3A_75 = vector.load %arg8[%get3A_73, %get3A_74] : memref<1x128xf32, #tpu.memory_space<vmem>>, vector<1x128xf32>
    %add3A_76 = vector.broadcast %get3A_75 : vector<1x128xf32> to vector<10000x128xf32>
    %add3A_77 = arith.addf %mul3A_72, %add3A_76 : vector<10000x128xf32>
    %max3A_78 = arith.constant 0.000000e+00 : f32
    %max3A_79 = vector.broadcast %max3A_78 : f32 to vector<10000x128xf32>
    %max3A_80 = arith.maximumf %add3A_77, %max3A_79 : vector<10000x128xf32>
    %add3A_81 = arith.addf %max3A_80, %get3A_1 : vector<10000x128xf32>
    %swap3A = arith.constant 0 : index
    %swap3A_82 = arith.constant 0 : index
    %swap3A_83 = vector.load %arg9[%swap3A, %swap3A_82] : memref<10000x128xf32, #tpu.memory_space<vmem>>, vector<10000x128xf32>
    tpu.vector_store %arg9[%swap3A, %swap3A_82], %add3A_81 {strides = array<i32>} : memref<10000x128xf32, #tpu.memory_space<vmem>>, vector<10000x128xf32>,
    return
  }
}

</mosaic_0001>

<sc_bundles>
// kernel: kernel.4.cloned.1.call-start
scs
__scs_entry_jumppad:
0x0: {  	(pc) =	sbr.rel $0x88, $3  }
0x1: {  	(tag) =	ssettag $0x0;
	lr =	simm.s32 $0x1  }
0x2: {  	[smem:$0x3F9B] =	sst lr;
	_ =	strace $0xD0000000  }
0x3: {  	_ = 	snop  }
0x4: {  	_ = 	snop  }
0x5: {  	_ = 	snop  }
0x6: {  	_ = 	snop  }
0x7: {  	_ = 	snop  }
__scs_overlays_trampoline_lowered:
0x8: {  	[smem:$0x3FAA] =	sst s0  }
0x9: {  	[smem:$0x3FAB] =	sst s1  }
0xa: {  	[smem:$0x3FAC] =	sst s2  }
0xb: {  	[smem:$0x3FAD] =	sst s3  }
0xc: {  	[smem:$0x3FAE] =	sst s4  }
0xd: {  	[smem:$0x3FAF] =	sst s5  }
0xe: {  	[smem:$0x3FB0] =	sst s6  }
0xf: {  	[smem:$0x3FB1] =	sst s7  }
0x10: {  	[smem:$0x3FB2] =	sst s8  }
0x11: {  	[smem:$0x3FB3] =	sst s9;
	s0 =	simm.s32 @!p0 $0x0  }
0x12: {  	s1 =	sld [smem:$0x3F99];
	s0 =	simm.s32 @p0 $0x1  }
0x13: {  	[smem:$0x3FB4] =	sst s0;
	s0 =	simm.s32 @!p1 $0x0  }
0x14: {  	s2 =	sld [smem:$0x3F98];
	s0 =	simm.s32 @p1 $0x1  }
0x15: {  	[smem:$0x3FB5] =	sst s0;
	s0 =	simm.s32 @!p2 $0x0  }
0x16: {  	s3 =	sld [smem:$0x3FDB];
	s0 =	simm.s32 @p2 $0x1  }
0x17: {  	s4 =	simm.s32 $0x1BF5;
	[smem:$0x3FB7] =	sst s0  }
0x18: {  	s0 =	sld [smem:$0x3F9A];
	_ =	swait.ge [sflag:s4], $0x0  }
0x19: {  	s7 =	sld [smem:$0x3F9B]  }
0x1a: {  	s8 =	sadd.s32 $0xFFFFE003, lr  }
0x1b: {  	s9 =	sadd.s32 $0xFFFFFEF7, lr;
	s5 =	simm.s32 $0xFFFFFFFF;
	p2 =	slt.u32 s8, $0xFFFFF086  }
0x1c: {  	p1 =	slt.u32 s9, $0xF7A;
	s5 =	simm.s32 @!p2 $0x0  }
0x1d: {  	s5 =	simm.s32 @p1 $0x1;
	p0 =	seq.s32 s7, s2  }
0x1e: {  	s7 =	smul.u32 @!p0 $0xF7A, s2;
	p2 =	seq.s32 @!p0 s5, $0x0  }
0x1f: {  	s9 =	smul.u32 $0xF7A, s1;
	s8 =	simm.s32 @!p0 $0x1BF5;
	p2 =	por !p2, p0  }
0x20: {  	[sflag:s8] =	ssyncset.s32 @!p0 $0xFFFFF086;
	s6 =	sadd.s32 @!p0 s3, s7;
	s7 =	simm.s32 @!p0 $0x108  }
0x21: {  	s3 =	sadd.s32 s3, s9;
	s6 =	sadd.s32 @!p0 $0x88, s6;
	s7 =	simm.s32 @p2 $0x1082  }
0x22: {  	[simem:s7], [sflag:s8] =	dma.local @!p0 [hbm:s6], $0xF7A  }
0x23: {  	s9 =	sor.u32 $0xD0000000, s2;
	s6 =	simm.s32 $0x108;
	_ =	swait.ge @!p0 [sflag:s8], $0x0  }
0x24: {  	s3 =	sadd.s32 $0x88, s3;
	s6 =	simm.s32 @!p1 $0x1082;
	[sflag:s4] =	ssyncset.s32 $0xFFFFF086  }
0x25: {  	[simem:s6], [sflag:s4] =	dma.local [hbm:s3], $0xF7A  }
0x26: {  	[smem:$0x3F9B] =	sst s1;
	(tag) =	ssettag s2;
	_ =	strace s9  }
0x27: {  	s1 =	sld [smem:$0x3FAB]  }
0x28: {  	s2 =	sld [smem:$0x3FAC]  }
0x29: {  	s4 =	sld [smem:$0x3FAE]  }
0x2a: {  	p0 =	seq.s32 s5, $0x0;
	s5 =	sld [smem:$0x3FAF]  }
0x2b: {  	s6 =	sld [smem:$0x3FB0]  }
0x2c: {  	s7 =	sld [smem:$0x3FB1]  }
0x2d: {  	s3 =	simm.s32 $0x108;
	s8 =	sld [smem:$0x3FB2]  }
0x2e: {  	s3 =	simm.s32 @!p0 $0x1082;
	s9 =	sld [smem:$0x3FB3]  }
0x2f: {  	lr =	sadd.s32 s0, s3;
	s0 =	sld [smem:$0x3FAA]  }
0x30: {  	s3 =	sld [smem:$0x3FAD]  }
0x31: {  	[smem:$0x3FB6] =	sst s10  }
0x32: {  	s10 =	sld [smem:$0x3FB4];
	_ =	sdelay $0x3  }
0x33: {  	p0 =	seq.s32 s10, $0x1;
	s10 =	sld [smem:$0x3FB6];
	_ =	sdelay $0x3  }
0x34: {  	[smem:$0x3FB6] =	sst s10  }
0x35: {  	s10 =	sld [smem:$0x3FB5];
	_ =	sdelay $0x3  }
0x36: {  	p1 =	seq.s32 s10, $0x1;
	s10 =	sld [smem:$0x3FB6];
	_ =	sdelay $0x3  }
0x37: {  	[smem:$0x3FB6] =	sst s10  }
0x38: {  	s10 =	sld [smem:$0x3FB7]  }
0x39: {  	_ = 	snop;
	(pc) =	sbr.ind lr, $3  }
0x3a: {  	_ = 	snop  }
0x3b: {  	_ = 	snop  }
0x3c: {  	p2 =	seq.s32 s10, $0x1;
	s10 =	sld [smem:$0x3FB6]  }
0x3d: {  	_ =	shalt  }
0x3e: {  	_ =	shalt  }
0x3f: {  	_ =	shalt  }
0x40: {  	_ =	shalt  }
0x41: {  	_ =	shalt  }
0x42: {  	_ =	shalt  }
0x43: {  	_ =	shalt  }
0x44: {  	_ =	shalt  }
0x45: {  	_ =	shalt  }
0x46: {  	_ =	shalt  }
0x47: {  	_ =	shalt  }
0x48: {  	_ =	shalt  }
0x49: {  	_ =	shalt  }
0x4a: {  	_ =	shalt  }
0x4b: {  	_ =	shalt  }
0x4c: {  	_ =	shalt  }
0x4d: {  	_ =	shalt  }
0x4e: {  	_ =	shalt  }
0x4f: {  	_ =	shalt  }
0x50: {  	_ =	shalt  }
0x51: {  	_ =	shalt  }
0x52: {  	_ =	shalt  }
0x53: {  	_ =	shalt  }
0x54: {  	_ =	shalt  }
0x55: {  	_ =	shalt  }
0x56: {  	_ =	shalt  }
0x57: {  	_ =	shalt  }
0x58: {  	_ =	shalt  }
0x59: {  	_ =	shalt  }
0x5a: {  	_ =	shalt  }
0x5b: {  	_ =	shalt  }
0x5c: {  	_ =	shalt  }
0x5d: {  	_ =	shalt  }
0x5e: {  	_ =	shalt  }
0x5f: {  	_ =	shalt  }
0x60: {  	_ =	shalt  }
0x61: {  	_ =	shalt  }
0x62: {  	_ =	shalt  }
0x63: {  	_ =	shalt  }
0x64: {  	_ =	shalt  }
0x65: {  	_ =	shalt  }
0x66: {  	_ =	shalt  }
0x67: {  	_ =	shalt  }
0x68: {  	_ =	shalt  }
0x69: {  	_ =	shalt  }
0x6a: {  	_ =	shalt  }
0x6b: {  	_ =	shalt  }
0x6c: {  	_ =	shalt  }
0x6d: {  	_ =	shalt  }
0x6e: {  	_ =	shalt  }
0x6f: {  	_ =	shalt  }
0x70: {  	_ =	shalt  }
0x71: {  	_ =	shalt  }
0x72: {  	_ =	shalt  }
0x73: {  	_ =	shalt  }
0x74: {  	_ =	shalt  }
0x75: {  	_ =	shalt  }
0x76: {  	_ =	shalt  }
0x77: {  	_ =	shalt  }
0x78: {  	_ =	shalt  }
0x79: {  	_ =	shalt  }
0x7a: {  	_ =	shalt  }
0x7b: {  	_ =	shalt  }
0x7c: {  	_ =	shalt  }
0x7d: {  	_ =	shalt  }
0x7e: {  	_ =	shalt  }
0x7f: {  	_ =	shalt  }
0x80: {  	_ =	shalt  }
0x81: {  	_ =	shalt  }
0x82: {  	_ =	shalt  }
0x83: {  	_ =	shalt  }
0x84: {  	_ =	shalt  }
0x85: {  	_ =	shalt  }
0x86: {  	_ =	shalt  }
0x87: {  	_ =	shalt  }
.Lfunc_end0:
.L_simem_size_0:
called_computation_lowered:
.L_overlay_start_0:
0x88: {  	s2 =	sld [smem:$0x3FD9]  }
0x89: {  	s3 =	sld [smem:$0x3FFE];
	_ =	sdelay $0x1  }
0x8a: {  	s1 =	srdreg.scid  }
0x8b: {  	s0 =	sand.u32 $0x1, s1  }
0x8c: {  	s17 =	sshll.u32 s0, $0xA;
	s2 =	sadd.s32 s3, s2  }
0x8d: {  	s2 =	sadd.s32 s2, s17  }
0x8e: {  	[smem:$0x3FC2] =	sst s2  }
0x8f: {  	_ = 	snop  }
0x90: {  	s2 =	sld [smem:$0x3FC9]  }
0x91: {  	s18 =	sld [smem:$0x3FD0];
	(tm) =	ssettm $0x1  }
0x92: {  	s4 =	sld [smem:$0x3FFB];
	_ =	sdelay $0x3  }
0x93: {  	_ =	strace s4  }
0x94: {  	s4 =	sld [smem:$0x3FFC];
	_ =	sdelay $0x3  }
0x95: {  	_ =	strace s4  }
0x96: {  	s4 =	sld [smem:$0x3FFD];
	_ =	sdelay $0x3  }
0x97: {  	_ =	strace s4  }
0x98: {  	_ =	strace $0x8FFFFFFF  }
0x99: {  	s19 =	sld [smem:$0x3FDB];
	_ =	sdelay $0x1  }
0x9a: {  	s5 =	simm.s32 $_scs_section_size  }
0x9b: {  	s6 =	simm.s32 $_size__tile_overlayer_lowered;
	s7 =	simm.s32 $_tile_overlayer_lowered  }
0x9c: {  	s22 =	simm.s32 $0x1BFF;
	s21 =	sshll.u32 s7, $0x1;
	s4 =	sadd.s32 s5, s19  }
0x9d: {  	s8 =	simm.s32 $0x0;
	s20 =	sshll.u32 s6, $0x1;
	s6 =	sadd.s32 s21, s4  }
0x9e: {  	[timem:s8], [sflag:s22] =	dma.local [hbm:s6], s20  }
0x9f: {  	_ =	swait.ge [sflag:s22], s20  }
0xa0: {  	s5 =	ssub.s32 $0x0, s20;
	[sflag:s22] =	ssyncset.done $0x0  }
0xa1: {  	[sflag:s22] =	ssyncadd.s32 s5;
	_ =	sdelay $0x1  }
0xa2: {  	s23 =	simm.s32 $0x1B8B  }
0xa3: {  	_ =	swait.ge [sflag:s23], $0x1  }
0xa4: {  	[sflag:s23] =	ssyncset.done $0x0  }
0xa5: {  	s25 =	simm.s32 $0x1B8E;
	s24 =	sld [smem:$0x3FFE];
	[sflag:s23] =	ssyncadd.s32 $0xFFFFFFFF  }
0xa6: {  	s26 =	simm.s32 $execute0_lowered;
	[smem:$0x3FD2] =	sst s25  }
0xa7: {  	s6 =	sshll.u32 s26, $0x1;
	_ =	strace $0x80000046;
	[dreg:$0x1] =	wrdreg $0xFFFFFFFF  }
0xa8: {  	s28 =	simm.s32 $_size_execute0_lowered;
	s4 =	sadd.s32 s4, s6;
	[dreg:$0x0] =	wrdreg $0x0  }
0xa9: {  	s6 =	sshll.u32 s28, $0x1;
	[dreg:$0x2] =	wrdreg s4  }
0xaa: {  	[dreg:$0x3] =	wrdreg s6  }
0xab: {  	[dreg:$0x4] =	wrdreg $0xC0  }
0xac: {  	_ =	task [dreg:s8], $0x5FFFF  }
0xad: {  	[dreg:$0x1] =	wrdreg $0xFFFFFFFF  }
0xae: {  	[dreg:$0x0] =	wrdreg $0x60  }
0xaf: {  	[dreg:$0x2] =	wrdreg s2  }
0xb0: {  	[dreg:$0x3] =	wrdreg s24  }
0xb1: {  	[dreg:$0x4] =	wrdreg s18  }
0xb2: {  	[dreg:$0x5] =	wrdreg $0x4B800  }
0xb3: {  	[dreg:$0x6] =	wrdreg $0x9  }
0xb4: {  	_ =	task.clear_ibuf [dreg:s8], $0x7FFFF;
	_ =	strace $0x90000046  }
0xb5: {  	s29 =	simm.s32 $0x9;
	_ =	strace $0x80000048  }
0xb6: {  	_ =	swait.ge [sflag:s29], $0x1  }
0xb7: {  	[sflag:s29] =	ssyncadd.s32 $0xFFFFFFFF  }
0xb8: {  	_ =	strace $0x90000048  }
0xb9: {  	_ =	sfence  }
0xba: {  	s30 =	sld [smem:$0x0];
	_ =	sdelay $0x2  }
0xbb: {  	s31 =	sshll.u32 s1, $0xD;
	s1 =	sshrl.u32 s1, $0x2  }
0xbc: {  	s3 =	sand.u32 $0x4000, s31;
	s1 =	sadd.s32 s1, s30  }
0xbd: {  	s0 =	sor.u32 s3, s0;
	s1 =	sshll.u32 s1, $0x11  }
0xbe: {  	s0 =	sor.u32 s1, s0  }
0xbf: {  	s0 =	sadd.s32 $0x8F2B, s0  }
0xc0: {  	[sflag:s0] =	ssyncadd.remote.s32 $0x1  }
0xc1: {  	_ =	sfence.sel $0xFFFF  }
0xc2: {  	[dreg:$0x0] =	wrdreg $0xFFFFFFFF;
	(pc) =	sbr.abs _section_cstart, $3  }
0xc3: {  	[dreg:$0x1] =	wrdreg $0xFFFFFFFF  }
0xc4: {  	_ =	task.clear_ibuf [dreg:s8], $0x2FFFF;
	_ =	strace $0x9FFFFFFF  }
0xc5: {  	(tm) =	ssettm $0x7FFFFFFF  }
tec
execute0_lowered:
.L_overlay_start_1:
0x0: {  	(tag) =	ssettag $0x1  }
0x1: {  	s1 =	rddreg [dreg:$0x0]  }
0x2: {  	s0 =	rddreg [dreg:$0x1]  }
0x3: {  	s2 =	rddreg [dreg:$0x2]  }
0x4: {  	s4 =	rddreg [dreg:$0x3];
	s12 =	stileid.u32  }
0x5: {  	s3 =	srdreg.scid;
	s8 =	smul.u32 $0x13C00, s12  }
0x6: {  	s5 =	simm.s32 $0x0;
	s3 =	sand.u32 $0x1, s3;
	s17 =	smul.u32 $0x4F000, s12  }
0x7: {  	s6 =	sshll.u32 s12, $0x1;
	s26 =	sshrl.u32 s12, $0x2;
	s12 =	smul.u32 $0x4F00, s12  }
0x8: {  	[smem:$0x7FF] =	sst s5;
	s7 =	smul.u32 $0x13C000, s3  }
0x9: {  	s9 =	sor.u32 s3, s6;
	_ =	strace $0x80000047;
	s10 =	smul.u32 $0x13C00, s26  }
0xa: {  	s6 =	sadd.s32 $0x1800, s0;
	s30 =	ssub.s32 $0x2, s3;
	s3 =	smul.u32 $0x2780, s3  }
0xb: {  	s11 =	sshll.u32 s9, $0x7;
	s9 =	smul.u32 $0x2780, s9;
	s20 =	sshrl.u32 s17, $0x2  }
0xc: {  	s7 =	sadd.s32 s8, s7;
	s28 =	sand.u32 $0x380, s11;
	s3 =	sadd.s32 s3, s12  }
0xd: {  	s11 =	sshrl.u32 s30, $0x1;
	s9 =	sshrl.u32 s9, $0x3;
	s26 =	sadd.s32 $0x80, s3  }
0xe: {  	s7 =	sshrl.u32 s7, $0x3;
	s13 =	sadd.s32 s6, s9;
	[dreg:$0x11] =	wrdreg s26  }
0xf: {  	s14 =	sor.u32 $0x4, s9;
	s15 =	sadd.s32 s2, s9;
	[dreg:$0x5] =	wrdreg s13  }
0x10: {  	s8 =	sor.u32 s10, s28;
	[dreg:$0x6] =	wrdreg s15;
	s16 =	sadd.s32 s6, s14  }
0x11: {  	s18 =	sor.u32 $0x8, s9;
	s10 =	sadd.s32 s2, s14;
	[dreg:$0x7] =	wrdreg s16  }
0x12: {  	s9 =	sor.u32 $0xC, s9;
	s13 =	sadd.s32 s6, s18;
	[dreg:$0x8] =	wrdreg s10  }
0x13: {  	s21 =	sadd.s32 $0xE0, s3;
	s19 =	sadd.s32 s6, s9;
	[dreg:$0x9] =	wrdreg s13  }
0x14: {  	s7 =	sadd.s32 s7, s0;
	s9 =	sadd.s32 s2, s9;
	[dreg:$0xb] =	wrdreg s19  }
0x15: {  	s8 =	sshrl.u32 s8, $0x3;
	s7 =	sadd.s32 $0xB600, s7;
	[dreg:$0xc] =	wrdreg s9  }
0x16: {  	s0 =	sadd.s32 s8, s0;
	s10 =	sadd.s32 s2, s18;
	[dreg:$0xe] =	wrdreg s7  }
0x17: {  	s8 =	ssub.s32 s30, s11;
	s0 =	sadd.s32 $0x5A600, s0;
	[dreg:$0xa] =	wrdreg s10  }
0x18: {  	s23 =	sadd.s32 $0xC0, s3;
	s22 =	smax.u32 s8, $0x1;
	[dreg:$0xf] =	wrdreg s0  }
0x19: {  	s24 =	sadd.s32 $0xA0, s3;
	s18 =	sadd.s32 s20, s4;
	[dreg:$0x10] =	wrdreg s22  }
0x1a: {  	s7 =	sshrl.u32 s23, $0x3;
	s28 =	sadd.s32 $0x1000, s18;
	[dreg:$0xd] =	wrdreg s18  }
0x1b: {  	s0 =	sshrl.u32 s21, $0x3;
	s30 =	sadd.s32 $0x2000, s18;
	[dreg:$0x12] =	wrdreg s28  }
0x1c: {  	s21 =	sadd.s32 s7, s2;
	s3 =	sadd.s32 $0x4000, s18;
	[dreg:$0x13] =	wrdreg s30  }
0x1d: {  	s22 =	sadd.s32 s7, s6;
	s7 =	sadd.s32 $0x5000, s18;
	[dreg:$0x15] =	wrdreg s3  }
0x1e: {  	s8 =	sadd.s32 $0x6000, s18;
	[dreg:$0x16] =	wrdreg s7  }
0x1f: {  	s9 =	sadd.s32 $0x7000, s18;
	[dreg:$0x17] =	wrdreg s8  }
0x20: {  	s10 =	sadd.s32 $0x8000, s18;
	[dreg:$0x18] =	wrdreg s9  }
0x21: {  	s11 =	sadd.s32 $0x9000, s18;
	[dreg:$0x19] =	wrdreg s10  }
0x22: {  	s12 =	sadd.s32 $0xA000, s18;
	[dreg:$0x1a] =	wrdreg s11  }
0x23: {  	s29 =	simm.s32 $0x80;
	s13 =	sadd.s32 $0xB000, s18;
	[dreg:$0x1b] =	wrdreg s12  }
0x24: {  	s31 =	simm.s32 $0x180;
	s14 =	sadd.s32 $0xC000, s18;
	[dreg:$0x1c] =	wrdreg s13  }
0x25: {  	s25 =	sshrl.u32 s24, $0x3;
	s15 =	sadd.s32 $0xD000, s18;
	[dreg:$0x1d] =	wrdreg s14  }
0x26: {  	s24 =	sadd.s32 s25, s6;
	s16 =	sadd.s32 $0xE000, s18;
	[dreg:$0x1e] =	wrdreg s15  }
0x27: {  	s23 =	sadd.s32 s25, s2;
	s17 =	sadd.s32 $0xF000, s18;
	[dreg:$0x1f] =	wrdreg s16  }
0x28: {  	s25 =	sadd.s32 $0x10000, s18;
	s26 =	sadd.s32 $0x11000, s18;
	[smem:$0x7F9] =	sst s17  }
0x29: {  	s19 =	sadd.s32 s0, s2;
	s20 =	sadd.s32 s0, s6;
	[smem:$0x7FA] =	sst s25  }
0x2a: {  	s2 =	sadd.s32 $0x3000, s18;
	[smem:$0x7FB] =	sst s26;
	s28 =	sadd.s32 $0x12000, s18  }
0x2b: {  	s30 =	sadd.s32 $0x13000, s18;
	s25 =	simm.s32 $0x100;
	s0 =	simm.s32 $0x380  }
.Ltmp0:
0x2c: {  	s3 =	simm.s32 $0x400;
	s7 =	simm.s32 $0x7;
	(pc) =	sbr.rel .LBB2_1-.Ltmp0, $4  }
0x2d: {  	s9 =	simm.s32 $0x2400;
	s10 =	simm.s32 $0x20;
	s11 =	simm.s32 $0x4  }
0x2e: {  	s12 =	simm.s32 $0x1400;
	s13 =	simm.s32 $0x1;
	[dreg:$0x14] =	wrdreg s2  }
0x2f: {  	v1 =	vlaneseq.u32;
	s14 =	simm.s32 $0x5;
	s16 =	simm.s32 $0x2;
	[smem:$0x7FC] =	sst s28  }
0x30: {  	v0 =	vimm.f32 $0.0e+00;
	v1 =	vor.u32 $0x2710, v1;
	s17 =	simm.s32 $0x6;
	s8 =	simm.s32 $0x0;
	[smem:$0x7FD] =	sst s30  }
.LBB2_8:
0x31: {  	s2 =	stileid.u32;
	[bflag:$0x0] =	sbarrier.arrive $0xFFFF  }
0x32: {  	s2 =	sshll.u32 s2, $0x6;
	s18 =	rddreg [dreg:$0xd]  }
0x33: {  	s15 =	rddreg [dreg:$0xe];
	s2 =	sor.u32 $0x1C07, s2;
	s8 =	sshrl.u32 s18, $0x3  }
0x34: {  	[hbm:s15], [sflag:s2] =	dma.local [spmem:s8], $0x2780  }
0x35: {  	_ =	swait.ge [sflag:s7], $0x2780  }
0x36: {  	[sflag:s7] =	ssyncset.done $0x0  }
0x37: {  	s26 =	rddreg [dreg:$0xf];
	[sflag:s7] =	ssyncadd.s32 $0xFFFFD880  }
0x38: {  	[hbm4b:s26+s29] =	stream.strided.scatter [tilespmem:s9], [sflag:$0x7], $0x2780, s3, s29, $0x38;
	[tilespmem:$0x18780] =	vst v63  }
0x39: {  	_ =	swait.ge [sflag:s7], $0x2780  }
0x3a: {  	s28 =	sld [smem:$0x7F8];
	_ =	sdelay $0x2  }
0x3b: {  	s30 =	rddreg [dreg:$0x10];
	s8 =	sadd.s32 $0x1, s28  }
0x3c: {  	p0 =	sne.s32 s8, s30  }
.Ltmp1:
0x3d: {  	_ = 	snop;
	(pc) =	sbr.rel @!p0 .LBB2_9-.Ltmp1, $3  }
0x3e: {  	_ =	sdelay $0x1  }
0x3f: {  	[sflag:s7] =	ssyncset.done $0x0  }
0x40: {  	[sflag:s7] =	ssyncadd.s32 $0xFFFFD880  }
.LBB2_1:
0x41: {  	[smem:$0x7F8] =	sst s8  }
0x42: {  	s2 =	rddreg [dreg:$0x5]  }
0x43: {  	[tilespmem:s5], [sflag:$0x3] =	stream.linear.gather [hbm4b:s2+s5], $0x20, $0x38;
	[tilespmem:$0x18780] =	vst v63  }
0x44: {  	s8 =	rddreg [dreg:$0x6];
	s15 =	simm.s32 $0x200  }
0x45: {  	[tilespmem:s15], [sflag:$0x3] =	stream.linear.gather [hbm4b:s8+s5], $0x20, $0x38;
	[tilespmem:$0x18780] =	vst v63  }
0x46: {  	s26 =	rddreg [dreg:$0x7]  }
0x47: {  	[tilespmem:s29], [sflag:$0x4] =	stream.linear.gather [hbm4b:s26+s5], $0x20, $0x38;
	[tilespmem:$0x18780] =	vst v63  }
0x48: {  	s28 =	rddreg [dreg:$0x8];
	s30 =	simm.s32 $0x280  }
0x49: {  	[tilespmem:s30], [sflag:$0x4] =	stream.linear.gather [hbm4b:s28+s5], $0x20, $0x38;
	[tilespmem:$0x18780] =	vst v63  }
0x4a: {  	s8 =	rddreg [dreg:$0x9]  }
0x4b: {  	[tilespmem:s25], [sflag:$0x5] =	stream.linear.gather [hbm4b:s8+s5], $0x20, $0x38;
	[tilespmem:$0x18780] =	vst v63  }
0x4c: {  	s15 =	rddreg [dreg:$0xa];
	s26 =	simm.s32 $0x300  }
0x4d: {  	[tilespmem:s26], [sflag:$0x5] =	stream.linear.gather [hbm4b:s15+s5], $0x20, $0x38;
	[tilespmem:$0x18780] =	vst v63  }
0x4e: {  	s28 =	rddreg [dreg:$0xb]  }
0x4f: {  	[tilespmem:s31], [sflag:$0x6] =	stream.linear.gather [hbm4b:s28+s5], $0x20, $0x38;
	[tilespmem:$0x18780] =	vst v63  }
0x50: {  	s30 =	rddreg [dreg:$0xc];
	s8 =	simm.s32 $0x0;
	s15 =	simm.s32 $0x200  }
0x51: {  	[tilespmem:s0], [sflag:$0x6] =	stream.linear.gather [hbm4b:s30+s5], $0x20, $0x38;
	[tilespmem:$0x18780] =	vst v63  }
.LBB2_2:
0x52: {  	p0 =	sne.s32 s15, $0x3E00;
	[tilespmem:s8+$0x470] =	vst v0  }
0x53: {  	[tilespmem:s8+$0x400] =	vst v0  }
0x54: {  	[tilespmem:s8+$0x410] =	vst v0  }
.Ltmp2:
0x55: {  	[tilespmem:s8+$0x420] =	vst v0;
	(pc) =	sbr.rel @p0 .LBB2_2-.Ltmp2, $4  }
0x56: {  	[tilespmem:s8+$0x430] =	vst v0  }
0x57: {  	[tilespmem:s8+$0x440] =	vst v0  }
0x58: {  	[tilespmem:s8+$0x450] =	vst v0  }
0x59: {  	[tilespmem:s8+$0x460] =	vst v0;
	s8 =	sshra.s32 s15, $0x2;
	s15 =	sadd.s32 $0x200, s15  }
0x5a: {  	[tilespmem:s8+$0x470] =	vst v0  }
0x5b: {  	[tilespmem:s8+$0x400] =	vst v0  }
0x5c: {  	[tilespmem:s8+$0x410] =	vst v0  }
0x5d: {  	[tilespmem:s8+$0x420] =	vst v0  }
0x5e: {  	[tilespmem:s8+$0x430] =	vst v0  }
0x5f: {  	[tilespmem:s8+$0x440] =	vst v0  }
0x60: {  	[tilespmem:s8+$0x450] =	vst v0  }
0x61: {  	[tilespmem:s8+$0x460] =	vst v0;
	s8 =	simm.s32 $0x40;
	s15 =	simm.s32 $0x0  }
.LBB2_4:
0x62: {  	p0 =	sne.s32 s8, $0x9DC0;
	[tilespmem:s15+$0x2400] =	vst v0;
	s15 =	smov.u32 s8;
	s8 =	sadd.s32 $0x40, s8  }
.Ltmp3:
0x63: {  	(pc) =	sbr.rel @p0 .LBB2_4-.Ltmp3, $2  }
0x64: {  	_ =	sdelay $0x2  }
0x65: {  	s15 =	sshra.s32 s15, $0x2  }
0x66: {  	[tilespmem:s15+$0x2400] =	vst v0  }
0x67: {  	[spmem:s18] =	stream.linear.scatter [tilespmem:s3], [sflag:$0x7], $0x1000, $0x38;
	[tilespmem:$0x18780] =	vst v63  }
0x68: {  	_ =	swait.ge [sflag:s7], $0x1000  }
0x69: {  	[sflag:s7] =	ssyncset.done $0x0  }
0x6a: {  	s2 =	rddreg [dreg:$0x12];
	[sflag:s7] =	ssyncadd.s32 $0xFFFFF000  }
0x6b: {  	[spmem:s2] =	stream.linear.scatter [tilespmem:s3], [sflag:$0x7], $0x1000, $0x38;
	[tilespmem:$0x18780] =	vst v63  }
0x6c: {  	_ =	swait.ge [sflag:s7], $0x1000  }
0x6d: {  	[sflag:s7] =	ssyncset.done $0x0  }
0x6e: {  	s30 =	rddreg [dreg:$0x13];
	[sflag:s7] =	ssyncadd.s32 $0xFFFFF000  }
0x6f: {  	[spmem:s30] =	stream.linear.scatter [tilespmem:s3], [sflag:$0x7], $0x1000, $0x38;
	[tilespmem:$0x18780] =	vst v63  }
0x70: {  	_ =	swait.ge [sflag:s7], $0x1000  }
0x71: {  	[sflag:s7] =	ssyncset.done $0x0  }
0x72: {  	s8 =	rddreg [dreg:$0x14];
	[sflag:s7] =	ssyncadd.s32 $0xFFFFF000  }
0x73: {  	[spmem:s8] =	stream.linear.scatter [tilespmem:s3], [sflag:$0x7], $0x1000, $0x38;
	[tilespmem:$0x18780] =	vst v63  }
0x74: {  	_ =	swait.ge [sflag:s7], $0x1000  }
0x75: {  	[sflag:s7] =	ssyncset.done $0x0  }
0x76: {  	s15 =	rddreg [dreg:$0x15];
	[sflag:s7] =	ssyncadd.s32 $0xFFFFF000  }
0x77: {  	[spmem:s15] =	stream.linear.scatter [tilespmem:s3], [sflag:$0x7], $0x1000, $0x38;
	[tilespmem:$0x18780] =	vst v63  }
0x78: {  	_ =	swait.ge [sflag:s7], $0x1000  }
0x79: {  	[sflag:s7] =	ssyncset.done $0x0  }
0x7a: {  	s18 =	rddreg [dreg:$0x16];
	[sflag:s7] =	ssyncadd.s32 $0xFFFFF000  }
0x7b: {  	[spmem:s18] =	stream.linear.scatter [tilespmem:s3], [sflag:$0x7], $0x1000, $0x38;
	[tilespmem:$0x18780] =	vst v63  }
0x7c: {  	_ =	swait.ge [sflag:s7], $0x1000  }
0x7d: {  	[sflag:s7] =	ssyncset.done $0x0  }
0x7e: {  	s26 =	rddreg [dreg:$0x17];
	[sflag:s7] =	ssyncadd.s32 $0xFFFFF000  }
0x7f: {  	[spmem:s26] =	stream.linear.scatter [tilespmem:s3], [sflag:$0x7], $0x1000, $0x38;
	[tilespmem:$0x18780] =	vst v63  }
0x80: {  	_ =	swait.ge [sflag:s7], $0x1000  }
0x81: {  	[sflag:s7] =	ssyncset.done $0x0  }
0x82: {  	s28 =	rddreg [dreg:$0x18];
	[sflag:s7] =	ssyncadd.s32 $0xFFFFF000  }
0x83: {  	[spmem:s28] =	stream.linear.scatter [tilespmem:s3], [sflag:$0x7], $0x1000, $0x38;
	[tilespmem:$0x18780] =	vst v63  }
0x84: {  	_ =	swait.ge [sflag:s7], $0x1000  }
0x85: {  	[sflag:s7] =	ssyncset.done $0x0  }
0x86: {  	s30 =	rddreg [dreg:$0x19];
	[sflag:s7] =	ssyncadd.s32 $0xFFFFF000  }
0x87: {  	[spmem:s30] =	stream.linear.scatter [tilespmem:s3], [sflag:$0x7], $0x1000, $0x38;
	[tilespmem:$0x18780] =	vst v63  }
0x88: {  	_ =	swait.ge [sflag:s7], $0x1000  }
0x89: {  	[sflag:s7] =	ssyncset.done $0x0  }
0x8a: {  	s8 =	rddreg [dreg:$0x1a];
	[sflag:s7] =	ssyncadd.s32 $0xFFFFF000  }
0x8b: {  	[spmem:s8] =	stream.linear.scatter [tilespmem:s3], [sflag:$0x7], $0x1000, $0x38;
	[tilespmem:$0x18780] =	vst v63  }
0x8c: {  	_ =	swait.ge [sflag:s7], $0x1000  }
0x8d: {  	[sflag:s7] =	ssyncset.done $0x0  }
0x8e: {  	s15 =	rddreg [dreg:$0x1b];
	[sflag:s7] =	ssyncadd.s32 $0xFFFFF000  }
0x8f: {  	[spmem:s15] =	stream.linear.scatter [tilespmem:s3], [sflag:$0x7], $0x1000, $0x38;
	[tilespmem:$0x18780] =	vst v63  }
0x90: {  	_ =	swait.ge [sflag:s7], $0x1000  }
0x91: {  	[sflag:s7] =	ssyncset.done $0x0  }
0x92: {  	s18 =	rddreg [dreg:$0x1c];
	[sflag:s7] =	ssyncadd.s32 $0xFFFFF000  }
0x93: {  	[spmem:s18] =	stream.linear.scatter [tilespmem:s3], [sflag:$0x7], $0x1000, $0x38;
	[tilespmem:$0x18780] =	vst v63  }
0x94: {  	_ =	swait.ge [sflag:s7], $0x1000  }
0x95: {  	[sflag:s7] =	ssyncset.done $0x0  }
0x96: {  	s26 =	rddreg [dreg:$0x1d];
	[sflag:s7] =	ssyncadd.s32 $0xFFFFF000  }
0x97: {  	[spmem:s26] =	stream.linear.scatter [tilespmem:s3], [sflag:$0x7], $0x1000, $0x38;
	[tilespmem:$0x18780] =	vst v63  }
0x98: {  	_ =	swait.ge [sflag:s7], $0x1000  }
0x99: {  	[sflag:s7] =	ssyncset.done $0x0  }
0x9a: {  	s28 =	rddreg [dreg:$0x1e];
	[sflag:s7] =	ssyncadd.s32 $0xFFFFF000  }
0x9b: {  	[spmem:s28] =	stream.linear.scatter [tilespmem:s3], [sflag:$0x7], $0x1000, $0x38;
	[tilespmem:$0x18780] =	vst v63  }
0x9c: {  	_ =	swait.ge [sflag:s7], $0x1000  }
0x9d: {  	[sflag:s7] =	ssyncset.done $0x0  }
0x9e: {  	s30 =	rddreg [dreg:$0x1f];
	[sflag:s7] =	ssyncadd.s32 $0xFFFFF000  }
0x9f: {  	[spmem:s30] =	stream.linear.scatter [tilespmem:s3], [sflag:$0x7], $0x1000, $0x38;
	[tilespmem:$0x18780] =	vst v63  }
0xa0: {  	_ =	swait.ge [sflag:s7], $0x1000  }
0xa1: {  	s8 =	sld [smem:$0x7F9]  }
0xa2: {  	[sflag:s7] =	ssyncset.done $0x0  }
0xa3: {  	[sflag:s7] =	ssyncadd.s32 $0xFFFFF000  }
0xa4: {  	[spmem:s8] =	stream.linear.scatter [tilespmem:s3], [sflag:$0x7], $0x1000, $0x38;
	[tilespmem:$0x18780] =	vst v63  }
0xa5: {  	_ =	swait.ge [sflag:s7], $0x1000  }
0xa6: {  	s15 =	sld [smem:$0x7FA]  }
0xa7: {  	[sflag:s7] =	ssyncset.done $0x0  }
0xa8: {  	[sflag:s7] =	ssyncadd.s32 $0xFFFFF000  }
0xa9: {  	[spmem:s15] =	stream.linear.scatter [tilespmem:s3], [sflag:$0x7], $0x1000, $0x38;
	[tilespmem:$0x18780] =	vst v63  }
0xaa: {  	_ =	swait.ge [sflag:s7], $0x1000  }
0xab: {  	s18 =	sld [smem:$0x7FB]  }
0xac: {  	[sflag:s7] =	ssyncset.done $0x0  }
0xad: {  	[sflag:s7] =	ssyncadd.s32 $0xFFFFF000  }
0xae: {  	[spmem:s18] =	stream.linear.scatter [tilespmem:s3], [sflag:$0x7], $0x1000, $0x38;
	[tilespmem:$0x18780] =	vst v63  }
0xaf: {  	_ =	swait.ge [sflag:s7], $0x1000  }
0xb0: {  	s26 =	sld [smem:$0x7FC]  }
0xb1: {  	[sflag:s7] =	ssyncset.done $0x0  }
0xb2: {  	[sflag:s7] =	ssyncadd.s32 $0xFFFFF000  }
0xb3: {  	[spmem:s26] =	stream.linear.scatter [tilespmem:s3], [sflag:$0x7], $0x1000, $0x38;
	[tilespmem:$0x18780] =	vst v63  }
0xb4: {  	_ =	swait.ge [sflag:s7], $0x1000  }
0xb5: {  	s28 =	sld [smem:$0x7FD]  }
0xb6: {  	[sflag:s7] =	ssyncset.done $0x0  }
0xb7: {  	[sflag:s7] =	ssyncadd.s32 $0xFFFFF000  }
0xb8: {  	[spmem:s28] =	stream.linear.scatter [tilespmem:s3], [sflag:$0x7], $0xC00, $0x38;
	[tilespmem:$0x18780] =	vst v63  }
0xb9: {  	_ =	swait.ge [sflag:s7], $0xC00  }
0xba: {  	[sflag:s7] =	ssyncset.done $0x0  }
0xbb: {  	[sflag:s7] =	ssyncadd.s32 $0xFFFFF400  }
0xbc: {  	s30 =	simm.s32 $0x3;
	[bflag:$0x0] =	sbarrier.arrive $0xFFFF  }
0xbd: {  	_ =	swait.ge [sflag:s30], $0x20  }
0xbe: {  	[sflag:s30] =	ssyncset.done $0x0  }
0xbf: {  	[sflag:s30] =	ssyncadd.s32 $0xFFFFFFE0  }
0xc0: {  	_ =	swait.ge [sflag:s30], $0x20  }
0xc1: {  	[sflag:s30] =	ssyncset.done $0x0  }
0xc2: {  	[sflag:s30] =	ssyncadd.s32 $0xFFFFFFE0  }
0xc3: {  	v2 =	vld [tilespmem:$0x0]  }
0xc4: {  	v3 =	vld [tilespmem:$0x200];
	_ =	sdelay $0x4  }
0xc5: {  	vm0 =	vne.s32 v2, v3  }
0xc6: {  	(xrf1) =	vunique.msk.u32 vm0, v3;
	_ =	sdelay $0xd  }
0xc7: {  	_, v2, vm1 =	vpop (xrf1);
	_ =	sdelay $0x3  }
0xc8: {  	v2 =	vcvt.s32.f32 v2;
	_ =	sdelay $0x1  }
0xc9: {  	[tilespmem:v3+s9+$0x0] =	vst.idx.add.f32.msk vm1, v2  }
0xca: {  	v2 =	vld [tilespmem:$0x10]  }
0xcb: {  	v4 =	vld [tilespmem:$0x210];
	_ =	sdelay $0x4  }
0xcc: {  	vm11 =	vne.s32 v2, v4  }
0xcd: {  	(xrf1) =	vunique.msk.u32 vm11, v4;
	_ =	sdelay $0xd  }
0xce: {  	_, v2, vm2 =	vpop (xrf1);
	_ =	sdelay $0x3  }
0xcf: {  	v3 =	vsel vm0, v3, v1;
	v2 =	vcvt.s32.f32 v2  }
0xd0: {  	[tilespmem:$0x200] =	vst v3  }
0xd1: {  	[tilespmem:v4+s9+$0x0] =	vst.idx.add.f32.msk vm2, v2;
	v2 =	vsel vm11, v4, v1  }
0xd2: {  	s26 =	simm.s32 $0x0;
	[tilespmem:$0x210] =	vst v2  }
0xd3: {  	[tilespmem:s3], [sflag:$0x1] =	stream.indirect.gather [hbm4b:s1+s10], $0x80, s26, s10, $0xb8;
	[tilespmem:$0x18780] =	vst v63  }
0xd4: {  	_ =	swait.ge [sflag:s11], $0x20  }
0xd5: {  	[sflag:s11] =	ssyncset.done $0x0  }
0xd6: {  	[sflag:s11] =	ssyncadd.s32 $0xFFFFFFE0  }
0xd7: {  	_ =	swait.ge [sflag:s11], $0x20  }
0xd8: {  	[sflag:s11] =	ssyncset.done $0x0  }
0xd9: {  	[sflag:s11] =	ssyncadd.s32 $0xFFFFFFE0  }
0xda: {  	v2 =	vld [tilespmem:$0x80]  }
0xdb: {  	v3 =	vld [tilespmem:$0x280];
	_ =	sdelay $0x4  }
0xdc: {  	vm12 =	vne.s32 v2, v3  }
0xdd: {  	(xrf1) =	vunique.msk.u32 vm12, v3;
	_ =	sdelay $0xd  }
0xde: {  	_, v2, vm13 =	vpop (xrf1);
	_ =	sdelay $0x3  }
0xdf: {  	v2 =	vcvt.s32.f32 v2;
	_ =	sdelay $0x1  }
0xe0: {  	[tilespmem:v3+s9+$0x0] =	vst.idx.add.f32.msk vm13, v2  }
0xe1: {  	v2 =	vld [tilespmem:$0x90]  }
0xe2: {  	v63 =	vld [tilespmem:$0x290];
	_ =	sdelay $0x4  }
0xe3: {  	vm14 =	vne.s32 v2, v63  }
0xe4: {  	(xrf1) =	vunique.msk.u32 vm14, v63;
	_ =	sdelay $0xd  }
0xe5: {  	_, v2, vm15 =	vpop (xrf1);
	_ =	sdelay $0x3  }
0xe6: {  	v3 =	vsel vm12, v3, v1;
	v2 =	vcvt.s32.f32 v2  }
0xe7: {  	[tilespmem:$0x280] =	vst v3  }
0xe8: {  	[tilespmem:v63+s9+$0x0] =	vst.idx.add.f32.msk vm15, v2;
	v2 =	vsel vm14, v63, v1  }
0xe9: {  	s15 =	rddreg [dreg:$0x11];
	[tilespmem:$0x290] =	vst v2  }
0xea: {  	[tilespmem:s12], [sflag:$0x2] =	stream.indirect.gather [hbm4b:s1+s10], $0x80, s29, s10, $0xb8;
	[tilespmem:$0x18780] =	vst v63  }
.LBB2_6:
0xeb: {  	_ =	swait.ge [sflag:s13], $0x1000  }
0xec: {  	[sflag:s13] =	ssyncset.done $0x0  }
0xed: {  	s2 =	simm.s32 $0x200;
	[sflag:s13] =	ssyncadd.s32 $0xFFFFF000  }
0xee: {  	[spmem:s4] =	stream.indirect.scatter.add.f32 [tilespmem:s3], [sflag:$0x7], $0x80, s2, s10, $0xb8;
	[tilespmem:$0x18780] =	vst v63  }
0xef: {  	_ =	swait.ge [sflag:s7], $0x1000  }
0xf0: {  	[sflag:s7] =	ssyncset.done $0x0  }
0xf1: {  	[sflag:s7] =	ssyncadd.s32 $0xFFFFF000  }
0xf2: {  	_ =	swait.ge [sflag:s14], $0x20  }
0xf3: {  	[sflag:s14] =	ssyncset.done $0x0  }
0xf4: {  	[sflag:s14] =	ssyncadd.s32 $0xFFFFFFE0  }
0xf5: {  	_ =	swait.ge [sflag:s14], $0x20  }
0xf6: {  	[sflag:s14] =	ssyncset.done $0x0  }
0xf7: {  	[sflag:s14] =	ssyncadd.s32 $0xFFFFFFE0  }
0xf8: {  	v2 =	vld [tilespmem:$0x100]  }
0xf9: {  	v3 =	vld [tilespmem:$0x300];
	_ =	sdelay $0x4  }
0xfa: {  	vm0 =	vne.s32 v2, v3  }
0xfb: {  	(xrf1) =	vunique.msk.u32 vm0, v3;
	_ =	sdelay $0xd  }
0xfc: {  	_, v2, vm1 =	vpop (xrf1);
	_ =	sdelay $0x3  }
0xfd: {  	v2 =	vcvt.s32.f32 v2;
	_ =	sdelay $0x1  }
0xfe: {  	[tilespmem:v3+s9+$0x0] =	vst.idx.add.f32.msk vm1, v2  }
0xff: {  	v2 =	vld [tilespmem:$0x110]  }
0x100: {  	v4 =	vld [tilespmem:$0x310];
	_ =	sdelay $0x4  }
0x101: {  	vm11 =	vne.s32 v2, v4  }
0x102: {  	(xrf1) =	vunique.msk.u32 vm11, v4;
	_ =	sdelay $0xd  }
0x103: {  	_, v2, vm2 =	vpop (xrf1);
	_ =	sdelay $0x3  }
0x104: {  	v3 =	vsel vm0, v3, v1;
	v2 =	vcvt.s32.f32 v2  }
0x105: {  	[tilespmem:$0x300] =	vst v3  }
0x106: {  	p0 =	seq.s32 s26, $0x4E0;
	[tilespmem:v4+s9+$0x0] =	vst.idx.add.f32.msk vm2, v2;
	v2 =	vsel vm11, v4, v1  }
0x107: {  	s18 =	sshrl.u32 @!p0 s15, $0x3;
	[tilespmem:$0x310] =	vst v2  }
0x108: {  	[tilespmem:s3], [sflag:$0x1] =	stream.indirect.gather [hbm4b:s1+s10], $0x80, s25, s10, $0xb8;
	[tilespmem:$0x18780] =	vst v63  }
0x109: {  	s8 =	simm.s32 @!p0 $0x0;
	s2 =	sadd.s32 @!p0 s6, s18  }
0x10a: {  	[tilespmem:s8], [sflag:$0x3] =	stream.linear.gather @!p0 [hbm4b:s2+s8], $0x20, $0x38;
	[tilespmem:$0x18780] =	vst v63  }
0x10b: {  	s2 =	rddreg [dreg:$0x2]  }
0x10c: {  	s2 =	sadd.s32 @!p0 s2, s18;
	s18 =	simm.s32 @!p0 $0x200  }
0x10d: {  	[tilespmem:s18], [sflag:$0x3] =	stream.linear.gather @!p0 [hbm4b:s2+s8], $0x20, $0x38;
	[tilespmem:$0x18780] =	vst v63  }
0x10e: {  	_ =	swait.ge [sflag:s16], $0x1000  }
0x10f: {  	[sflag:s16] =	ssyncset.done $0x0  }
0x110: {  	s30 =	simm.s32 $0x280;
	[sflag:s16] =	ssyncadd.s32 $0xFFFFF000  }
0x111: {  	[spmem:s4] =	stream.indirect.scatter.add.f32 [tilespmem:s12], [sflag:$0x7], $0x80, s30, s10, $0xb8;
	[tilespmem:$0x18780] =	vst v63  }
0x112: {  	_ =	swait.ge [sflag:s7], $0x1000  }
0x113: {  	[sflag:s7] =	ssyncset.done $0x0  }
0x114: {  	[sflag:s7] =	ssyncadd.s32 $0xFFFFF000  }
0x115: {  	_ =	swait.ge [sflag:s17], $0x20  }
0x116: {  	[sflag:s17] =	ssyncset.done $0x0  }
0x117: {  	[sflag:s17] =	ssyncadd.s32 $0xFFFFFFE0  }
0x118: {  	_ =	swait.ge [sflag:s17], $0x20  }
0x119: {  	[sflag:s17] =	ssyncset.done $0x0  }
0x11a: {  	[sflag:s17] =	ssyncadd.s32 $0xFFFFFFE0  }
0x11b: {  	v2 =	vld [tilespmem:$0x180]  }
0x11c: {  	v3 =	vld [tilespmem:$0x380];
	_ =	sdelay $0x4  }
0x11d: {  	vm12 =	vne.s32 v2, v3  }
0x11e: {  	(xrf1) =	vunique.msk.u32 vm12, v3;
	_ =	sdelay $0xd  }
0x11f: {  	_, v2, vm13 =	vpop (xrf1);
	_ =	sdelay $0x3  }
0x120: {  	v2 =	vcvt.s32.f32 v2;
	_ =	sdelay $0x1  }
0x121: {  	[tilespmem:v3+s9+$0x0] =	vst.idx.add.f32.msk vm13, v2  }
0x122: {  	v2 =	vld [tilespmem:$0x190]  }
0x123: {  	v63 =	vld [tilespmem:$0x390];
	_ =	sdelay $0x4  }
0x124: {  	vm14 =	vne.s32 v2, v63  }
0x125: {  	(xrf1) =	vunique.msk.u32 vm14, v63;
	_ =	sdelay $0xd  }
0x126: {  	_, v2, vm15 =	vpop (xrf1);
	_ =	sdelay $0x3  }
0x127: {  	v3 =	vsel vm12, v3, v1;
	v2 =	vcvt.s32.f32 v2  }
0x128: {  	[tilespmem:$0x380] =	vst v3  }
0x129: {  	[tilespmem:v63+s9+$0x0] =	vst.idx.add.f32.msk vm15, v2;
	v2 =	vsel vm14, v63, v1  }
0x12a: {  	s2 =	simm.s32 @p0 $0x1;
	[tilespmem:$0x390] =	vst v2  }
0x12b: {  	[tilespmem:s12], [sflag:$0x2] =	stream.indirect.gather [hbm4b:s1+s10], $0x80, s31, s10, $0xb8;
	[tilespmem:$0x18780] =	vst v63  }
0x12c: {  	_ =	swait.ge @p0 [sflag:s2], $0x1000  }
0x12d: {  	s28 =	simm.s32 @p0 $0x400;
	[sflag:s2] =	ssyncset.done @p0 $0x0  }
0x12e: {  	s18 =	simm.s32 @p0 $0x300;
	[sflag:s2] =	ssyncadd.s32 @p0 $0xFFFFF000;
	s2 =	simm.s32 @p0 $0x20  }
0x12f: {  	[spmem:s4] =	stream.indirect.scatter.add.f32 @p0 [tilespmem:s28], [sflag:$0x7], $0x80, s18, s2, $0xb8;
	[tilespmem:$0x18780] =	vst v63  }
0x130: {  	s2 =	simm.s32 @p0 $0x7  }
0x131: {  	_ =	swait.ge @p0 [sflag:s2], $0x1000  }
0x132: {  	[sflag:s2] =	ssyncset.done @p0 $0x0  }
0x133: {  	s18 =	simm.s32 @!p0 $0x80;
	[sflag:s2] =	ssyncadd.s32 @p0 $0xFFFFF000;
	s2 =	sadd.s32 @!p0 s26, s24  }
0x134: {  	[tilespmem:s18], [sflag:$0x4] =	stream.linear.gather @!p0 [hbm4b:s2+s8], $0x20, $0x38;
	[tilespmem:$0x18780] =	vst v63  }
0x135: {  	s2 =	sadd.s32 @!p0 s26, s23;
	s18 =	simm.s32 @!p0 $0x280  }
0x136: {  	[tilespmem:s18], [sflag:$0x4] =	stream.linear.gather @!p0 [hbm4b:s2+s8], $0x20, $0x38;
	[tilespmem:$0x18780] =	vst v63  }
0x137: {  	s2 =	simm.s32 @!p0 $0x1  }
0x138: {  	_ =	swait.ge @!p0 [sflag:s2], $0x1000  }
0x139: {  	s30 =	simm.s32 @!p0 $0x7;
	s28 =	simm.s32 @!p0 $0x400;
	[sflag:s2] =	ssyncset.done @!p0 $0x0  }
0x13a: {  	s18 =	simm.s32 @!p0 $0x300;
	[sflag:s2] =	ssyncadd.s32 @!p0 $0xFFFFF000;
	s2 =	simm.s32 @!p0 $0x20  }
0x13b: {  	[spmem:s4] =	stream.indirect.scatter.add.f32 @!p0 [tilespmem:s28], [sflag:$0x7], $0x80, s18, s2, $0xb8;
	[tilespmem:$0x18780] =	vst v63  }
0x13c: {  	_ =	swait.ge @!p0 [sflag:s30], $0x1000  }
0x13d: {  	[sflag:s30] =	ssyncset.done @!p0 $0x0  }
0x13e: {  	[sflag:s30] =	ssyncadd.s32 @!p0 $0xFFFFF000;
	s30 =	simm.s32 @!p0 $0x3  }
0x13f: {  	_ =	swait.ge @!p0 [sflag:s30], $0x20  }
0x140: {  	[sflag:s30] =	ssyncset.done @!p0 $0x0  }
0x141: {  	[sflag:s30] =	ssyncadd.s32 @!p0 $0xFFFFFFE0  }
0x142: {  	_ =	swait.ge @!p0 [sflag:s30], $0x20  }
0x143: {  	[sflag:s30] =	ssyncset.done @!p0 $0x0  }
0x144: {  	[sflag:s30] =	ssyncadd.s32 @!p0 $0xFFFFFFE0  }
0x145: {  	v2 =	vld @!p0 [tilespmem:$0x0]  }
0x146: {  	v3 =	vld @!p0 [tilespmem:$0x200];
	_ =	sdelay $0x4  }
0x147: {  	vm0 =	vne.s32 @!p0 v2, v3  }
0x148: {  	(xrf1) =	vunique.msk.u32 @!p0 vm0, v3;
	_ =	sdelay $0xd  }
0x149: {  	_, v2, vm1 =	vpop @!p0 (xrf1);
	_ =	sdelay $0x3  }
0x14a: {  	v2 =	vcvt.s32.f32 @!p0 v2  }
0x14b: {  	s30 =	simm.s32 @!p0 $0x2400  }
0x14c: {  	[tilespmem:v3+s30+$0x0] =	vst.idx.add.f32.msk @!p0 vm1, v2  }
0x14d: {  	v2 =	vld @!p0 [tilespmem:$0x10]  }
0x14e: {  	v4 =	vld @!p0 [tilespmem:$0x210];
	_ =	sdelay $0x4  }
0x14f: {  	vm1 =	vne.s32 @!p0 v2, v4  }
0x150: {  	(xrf1) =	vunique.msk.u32 @!p0 vm1, v4;
	_ =	sdelay $0xd  }
0x151: {  	_, v2, vm2 =	vpop @!p0 (xrf1);
	_ =	sdelay $0x1  }
0x152: {  	v5 =	vlaneseq.u32 @!p0  }
0x153: {  	v5 =	vor.u32 @!p0 $0x2710, v5  }
0x154: {  	v3 =	vsel @!p0 vm0, v3, v5;
	v2 =	vcvt.s32.f32 @!p0 v2  }
0x155: {  	[tilespmem:$0x200] =	vst @!p0 v3  }
0x156: {  	[tilespmem:v4+s30+$0x0] =	vst.idx.add.f32.msk @!p0 vm2, v2;
	v2 =	vsel @!p0 vm1, v4, v5  }
0x157: {  	[tilespmem:$0x210] =	vst @!p0 v2  }
0x158: {  	[tilespmem:s28], [sflag:$0x1] =	stream.indirect.gather @!p0 [hbm4b:s1+s2], $0x80, s8, s2, $0xb8;
	[tilespmem:$0x18780] =	vst v63  }
0x159: {  	s2 =	sadd.s32 @!p0 s26, s22;
	s28 =	simm.s32 @!p0 $0x100  }
0x15a: {  	[tilespmem:s28], [sflag:$0x5] =	stream.linear.gather @!p0 [hbm4b:s2+s8], $0x20, $0x38;
	[tilespmem:$0x18780] =	vst v63  }
0x15b: {  	s2 =	sadd.s32 @!p0 s26, s21  }
0x15c: {  	[tilespmem:s18], [sflag:$0x5] =	stream.linear.gather @!p0 [hbm4b:s2+s8], $0x20, $0x38;
	[tilespmem:$0x18780] =	vst v63  }
0x15d: {  	_ =	swait.ge [sflag:s16], $0x1000  }
0x15e: {  	[sflag:s16] =	ssyncset.done $0x0  }
.Ltmp4:
0x15f: {  	[sflag:s16] =	ssyncadd.s32 $0xFFFFF000;
	(pc) =	sbr.rel @p0 .LBB2_8-.Ltmp4, $4  }
0x160: {  	[spmem:s4] =	stream.indirect.scatter.add.f32 [tilespmem:s12], [sflag:$0x7], $0x80, s0, s10, $0xb8;
	[tilespmem:$0x18780] =	vst v63  }
0x161: {  	_ =	swait.ge [sflag:s7], $0x1000  }
0x162: {  	[sflag:s7] =	ssyncset.done $0x0  }
0x163: {  	[sflag:s7] =	ssyncadd.s32 $0xFFFFF000  }
0x164: {  	_ =	swait.ge [sflag:s11], $0x20  }
0x165: {  	[sflag:s11] =	ssyncset.done $0x0  }
0x166: {  	[sflag:s11] =	ssyncadd.s32 $0xFFFFFFE0  }
0x167: {  	_ =	swait.ge [sflag:s11], $0x20  }
0x168: {  	[sflag:s11] =	ssyncset.done $0x0  }
0x169: {  	[sflag:s11] =	ssyncadd.s32 $0xFFFFFFE0  }
0x16a: {  	v2 =	vld [tilespmem:$0x80]  }
0x16b: {  	v3 =	vld [tilespmem:$0x280];
	_ =	sdelay $0x4  }
0x16c: {  	vm0 =	vne.s32 v2, v3  }
0x16d: {  	(xrf1) =	vunique.msk.u32 vm0, v3;
	_ =	sdelay $0xd  }
0x16e: {  	_, v2, vm1 =	vpop (xrf1);
	_ =	sdelay $0x3  }
0x16f: {  	v2 =	vcvt.s32.f32 v2;
	_ =	sdelay $0x1  }
0x170: {  	[tilespmem:v3+s9+$0x0] =	vst.idx.add.f32.msk vm1, v2  }
0x171: {  	v2 =	vld [tilespmem:$0x90]  }
0x172: {  	v4 =	vld [tilespmem:$0x290];
	_ =	sdelay $0x4  }
0x173: {  	vm15 =	vne.s32 v2, v4  }
0x174: {  	(xrf1) =	vunique.msk.u32 vm15, v4;
	_ =	sdelay $0xd  }
0x175: {  	_, v2, vm2 =	vpop (xrf1);
	_ =	sdelay $0x3  }
0x176: {  	v3 =	vsel vm0, v3, v1;
	v2 =	vcvt.s32.f32 v2  }
0x177: {  	[tilespmem:$0x280] =	vst v3  }
0x178: {  	[tilespmem:v4+s9+$0x0] =	vst.idx.add.f32.msk vm2, v2;
	v2 =	vsel vm15, v4, v1  }
0x179: {  	[tilespmem:$0x290] =	vst v2  }
0x17a: {  	[tilespmem:s12], [sflag:$0x2] =	stream.indirect.gather [hbm4b:s1+s10], $0x80, s29, s10, $0xb8;
	[tilespmem:$0x18780] =	vst v63  }
.Ltmp5:
0x17b: {  	_ = 	snop;
	(pc) =	sbr.rel .LBB2_6-.Ltmp5, $4  }
0x17c: {  	s2 =	sadd.s32 s26, s20  }
0x17d: {  	[tilespmem:s31], [sflag:$0x6] =	stream.linear.gather [hbm4b:s2+s5], $0x20, $0x38;
	[tilespmem:$0x18780] =	vst v63  }
0x17e: {  	s30 =	sadd.s32 s26, s19;
	s26 =	sadd.s32 $0x10, s26;
	s15 =	sadd.s32 $0x80, s15  }
0x17f: {  	[tilespmem:s0], [sflag:$0x6] =	stream.linear.gather [hbm4b:s30+s5], $0x20, $0x38;
	[tilespmem:$0x18780] =	vst v63  }
.LBB2_9:
0x180: {  	_ =	sfence.sel $0x180000  }
0x181: {  	[bflag:$0x0] =	sbarrier.arrive $0xFFFF  }
0x182: {  	_ =	strace $0x90000047  }
0x183: {  	s0 =	stileid.u32;
	[bflag:$0x2] =	sbarrier.arrive $0xFFFF  }
0x184: {  	p0 =	sne.s32 s0, $0x0;
	s0 =	rddreg [dreg:$0x4]  }
0x185: {  	s0 =	sadd.s32 @!p0 $0x100000, s0  }
0x186: {  	[sflag:s0] =	ssyncadd.tile.s32 @!p0 $0x1;
	_ =	shalt  }
.Lfunc_end2:
_tile_overlayer_lowered:
.L_overlay_start_2:
0x187: {  	(tag) =	ssettag $0x2  }
0x188: {  	s0 =	rddreg [dreg:$0x0];
	s2 =	stileid.u32  }
0x189: {  	s1 =	rddreg [dreg:$0x1];
	p0 =	sne.s32 s2, $0x0  }
0x18a: {  	s3 =	rddreg [dreg:$0x2];
	[bflag:$0x3] =	sbarrier.arrive $0xFFFF;
	s2 =	simm.s32 @!p0 $0x1C07  }
0x18b: {  	[timem:s3], [sflag:s2] =	dma.local @!p0 [hbm:s0], s1  }
0x18c: {  	s0 =	simm.s32 @!p0 $0x7  }
0x18d: {  	_ =	swait.ge @!p0 [sflag:s0], s1  }
0x18e: {  	s1 =	ssub.s32 @!p0 $0x0, s1;
	[sflag:s0] =	ssyncset.done @!p0 $0x0  }
0x18f: {  	[sflag:s0] =	ssyncadd.s32 @!p0 s1  }
0x190: {  	[bflag:$0x3] =	sbarrier.arrive $0xFFFF  }
0x191: {  	_ =	shalt  }

</sc_bundles>
